<compile_context>
chip_gen: v7x
topology: tpu7x:2x2x1
jax: 0.10.2.dev20260603
libtpu: 0.0.44.dev20260713+nightly
codegen_flags: <defaults>
</compile_context>

<pallas_src>
import functools

import jax
import jax.numpy as jnp
from jax import lax
from jax.experimental import pallas as pl
from jax.experimental.pallas import tpu as pltpu
from jax.experimental.pallas import tpu_sc as plsc

_ROWS = 64
_COLS = 32768
_N = _ROWS * _COLS
_NC = 2
_NS = 16
_NW = _NC * _NS
_PER_W = _N // _NW
_HALF = _PER_W // 2
_LANES = 16
_UNROLL = 4
_TOP_K = 64
_SEL_THR = 0.1


_ROWS_W = 8
_COLS_W = _COLS // 4
_COLS_H = _COLS_W // 2


def _sc_partials(attn):
    mesh = plsc.VectorSubcoreMesh(core_axis_name="c", subcore_axis_name="s")

    @functools.partial(
        pl.kernel,
        mesh=mesh,
        out_type=(
            jax.ShapeDtypeStruct((3 * _NW * _LANES,), jnp.float32),
            jax.ShapeDtypeStruct((_ROWS, _COLS), jnp.float32),
        ),
        compiler_params=pltpu.CompilerParams(
            use_tc_tiling_on_sc=True, needs_layout_passes=False),
        scratch_types=[
            pltpu.VMEM((2, _ROWS_W, _COLS_H), jnp.float32),
            pltpu.VMEM((3, _LANES), jnp.float32),
            pltpu.SemaphoreType.DMA,
            pltpu.SemaphoreType.DMA,
            pltpu.SemaphoreType.DMA,
            pltpu.SemaphoreType.DMA,
        ],
    )
    def k(x_hbm, out_hbm, attn_hbm, buf, stage, sem0, sem1, sem2, sem3):
        wid = lax.axis_index("s") * _NC + lax.axis_index("c")
        r0 = (wid // 4) * _ROWS_W
        c0 = (wid % 4) * _COLS_W

        cp0 = pltpu.async_copy(
            x_hbm.at[pl.ds(r0, _ROWS_W), pl.ds(c0, _COLS_H)], buf.at[0], sem0)
        cp1 = pltpu.async_copy(
            x_hbm.at[pl.ds(r0, _ROWS_W), pl.ds(c0 + _COLS_H, _COLS_H)],
            buf.at[1], sem1)

        fzeros = jnp.zeros((_LANES,), jnp.float32)
        izeros = jnp.zeros((_LANES,), jnp.int32)
        init = (fzeros, fzeros, izeros) * _UNROLL
        group = _LANES * _UNROLL

        def make_half(h):
            def row_body(r, carry):
                def body(i, accs_in):
                    accs = list(accs_in)
                    for j in range(_UNROLL):
                        v = buf[h, r, pl.ds(i + j * _LANES, _LANES)]
                        accs[3 * j] = accs[3 * j] + v
                        accs[3 * j + 1] = accs[3 * j + 1] + v * v
                        accs[3 * j + 2] = accs[3 * j + 2] + (
                            plsc.all_reduce_population_count(v > _SEL_THR))
                    return tuple(accs)
                return plsc.parallel_loop(
                    0, _COLS_H, step=group, unroll=2, carry=carry)(body)
            return row_body

        cp0.wait()
        wr0 = pltpu.async_copy(
            buf.at[0], attn_hbm.at[pl.ds(r0, _ROWS_W), pl.ds(c0, _COLS_H)],
            sem2)
        res = lax.fori_loop(0, _ROWS_W, make_half(0), init)
        cp1.wait()
        wr1 = pltpu.async_copy(
            buf.at[1],
            attn_hbm.at[pl.ds(r0, _ROWS_W), pl.ds(c0 + _COLS_H, _COLS_H)],
            sem3)
        res = lax.fori_loop(0, _ROWS_W, make_half(1), res)
        wr0.wait()
        wr1.wait()

        def tree_sum(vals):
            vals = list(vals)
            while len(vals) > 1:
                vals = [a + b for a, b in zip(vals[::2], vals[1::2])]
            return vals[0]

        s = tree_sum(res[0::3])
        q = tree_sum(res[1::3])
        c = tree_sum(res[2::3])
        stage[0] = s
        stage[1] = q
        stage[2] = c.astype(jnp.float32) * (1.0 / _LANES)
        for j in range(3):
            pltpu.sync_copy(
                stage.at[j],
                out_hbm.at[pl.ds((j * _NW + wid) * _LANES, _LANES)])

    return k(attn)


def _finalize(partials):

    def body(p_ref, inten_ref, qual_ref, topk_ref, spars_ref):
        w = _NW * _LANES
        s = jnp.sum(p_ref[pl.ds(0, w)])
        sq = jnp.sum(p_ref[pl.ds(w, w)])
        c = jnp.sum(p_ref[pl.ds(2 * w, w)])
        n = jnp.float32(_N)
        mean = s / n
        var = (sq - n * mean * mean) / (n - 1.0)
        std = jnp.sqrt(jnp.maximum(var, 0.0))
        consistency = 1.0 / (1.0 + std)
        focus = jnp.maximum(0.0, mean - 0.5) * 2.0
        inten_ref[0] = mean
        qual_ref[0] = jnp.clip(consistency - focus * 0.1, 0.0, 1.0)
        topk_ref[0] = jnp.minimum(c, jnp.float32(_TOP_K)).astype(jnp.int32)
        spars_ref[0] = 1.0 - c / n

    return pl.pallas_call(
        body,
        out_shape=(
            jax.ShapeDtypeStruct((1,), jnp.float32),
            jax.ShapeDtypeStruct((1,), jnp.float32),
            jax.ShapeDtypeStruct((1,), jnp.int32),
            jax.ShapeDtypeStruct((1,), jnp.float32),
        ),
        out_specs=(pl.BlockSpec(memory_space=pltpu.SMEM),) * 4,
    )(partials)


def kernel(attention_scores, features):
    partials, attn_out = _sc_partials(attention_scores)
    inten, qual, topk, spars = _finalize(partials)
    return (attn_out, inten[0], qual[0], topk[0], spars[0])

# --- scband reference (transcript-rebuilt; emitter-appended) ---
"""Pipeline reference for scband-attention-controller-70068096467160 (READ-ONLY COPY).

The authoritative reference and input builder live on the scoring server;
editing this copy changes nothing except your own understanding.
"""

import jax, jax.numpy as jnp
import numpy as np

TOP_K = 64
SEL_THR = 0.1


def setup_inputs(seed: int = 0) -> dict:
    key = jax.random.key(seed)
    k1, k2 = jax.random.split(key)
    attention_scores = jax.random.uniform(k1, (64, 32768), dtype=jnp.float32)
    features = jax.random.normal(k2, (64, 2048), dtype=jnp.float32)
    return {"attention_scores": attention_scores, "features": features}


def reference(attention_scores, features):
    # attention_result = {"attention_scores": attention_scores}; single attention map.
    attn = attention_scores

    # attention_weights = [attn.mean()]; attention_intensity = np.mean(weights)
    intensity = jnp.mean(attn)

    # _compute_attention_quality (single map)
    mean_a = jnp.mean(attn)
    std_a = jnp.std(attn, ddof=1)  # torch.std is unbiased
    consistency = 1.0 / (1.0 + std_a)
    focus_penalty = jnp.maximum(0.0, mean_a - 0.5) * 2.0
    quality = jnp.clip(consistency - focus_penalty * 0.1, 0.0, 1.0)

    # _count_top_k_active: topk over flattened map, count > selectivity_threshold
    topk_vals = jax.lax.top_k(attn.reshape(-1), TOP_K)[0]
    top_k_active = jnp.sum(topk_vals > SEL_THR).astype(jnp.int32)

    # _compute_global_sparsity: 1 - fraction of entries > 0.1
    non_zero_ratio = jnp.mean((attn > 0.1).astype(jnp.float32))
    sparsity = 1.0 - non_zero_ratio

    return (attn, intensity, quality, top_k_active, sparsity)

if __name__ == "__main__":
    import jax
    _d = setup_inputs()
    print(jax.jit(kernel)(*tuple(_d.values())))

</pallas_src>

<mosaic_0001>
#map = affine_map<(d0, d1) -> (0, 0)>
#map1 = affine_map<(d0, d1) -> (0)>
module attributes {stable_mosaic.version = 14 : i64} {
  func.func @k(%arg0: i32, %arg1: i32, %arg2: memref<64x32768xf32, #tpu.memory_space<hbm>>, %arg3: memref<1536xf32, #tpu.memory_space<hbm>>, %arg4: memref<64x32768xf32, #tpu.memory_space<hbm>>, %arg5: memref<2x8x4096xf32, #tpu.memory_space<vmem>>, %arg6: memref<3x16xf32, #tpu.memory_space<vmem>>, %arg7: memref<!tpu.dma_semaphore, #tpu.memory_space<semaphore_mem>>, %arg8: memref<!tpu.dma_semaphore, #tpu.memory_space<semaphore_mem>>, %arg9: memref<!tpu.dma_semaphore, #tpu.memory_space<semaphore_mem>>, %arg10: memref<!tpu.dma_semaphore, #tpu.memory_space<semaphore_mem>>) attributes {dimension_semantics = [#tpu.dimension_semantics<core_parallel>, #tpu.dimension_semantics<subcore_parallel>], iteration_bounds = array<i64: 2, 16>, scalar_prefetch = 0 : i64, scratch_operands = 6 : i64, tpu.core_type = #tpu.core_type<sc_vector_subcore>, window_params = [{transform_indices = #map}, {transform_indices = #map1}, {transform_indices = #map}]} {
    %mul3A = arith.constant 2 : i32
    %mul3A_0 = arith.muli %arg1, %mul3A : i32
    %add3A = arith.addi %mul3A_0, %arg0 : i32
    %jit3A = arith.constant 4 : i32
    %div3A = arith.divsi %add3A, %jit3A : i32
    %sign3A = arith.constant 0 : i32
    %sign3A_1 = arith.cmpi sgt, %add3A, %sign3A : i32
    %sign3A_2 = arith.extui %sign3A_1 : i1 to i32
    %sign3A_3 = arith.constant 0 : i32
    %sign3A_4 = arith.cmpi slt, %add3A, %sign3A_3 : i32
    %sign3A_5 = arith.extui %sign3A_4 : i1 to i32
    %sign3A_6 = arith.subi %sign3A_2, %sign3A_5 : i32
    %sign3A_7 = arith.constant 0 : i32
    %sign3A_8 = arith.cmpi sgt, %jit3A, %sign3A_7 : i32
    %sign3A_9 = arith.extui %sign3A_8 : i1 to i32
    %sign3A_10 = arith.constant 0 : i32
    %sign3A_11 = arith.cmpi slt, %jit3A, %sign3A_10 : i32
    %sign3A_12 = arith.extui %sign3A_11 : i1 to i32
    %sign3A_13 = arith.subi %sign3A_9, %sign3A_12 : i32
    %ne3A = arith.cmpi ne, %sign3A_6, %sign3A_13 : i32
    %rem3A = arith.remsi %add3A, %jit3A : i32
    %ne3A_14 = arith.constant 0 : i32
    %ne3A_15 = arith.cmpi ne, %rem3A, %ne3A_14 : i32
    %and3A = arith.andi %ne3A, %ne3A_15 : i1
    %sub3A = arith.constant 1 : i32
    %sub3A_16 = arith.subi %div3A, %sub3A : i32
    %select_n3A = arith.select %and3A, %sub3A_16, %div3A : i32
    %mul3A_17 = arith.constant 8 : i32
    %mul3A_18 = arith.muli %select_n3A, %mul3A_17 : i32
    %jit3A_19 = arith.constant 4 : i32
    %eq3A = arith.constant 0 : i32
    %eq3A_20 = arith.cmpi eq, %jit3A_19, %eq3A : i32
    %jit3A_21 = arith.constant 1 : i32
    %select_n3A_22 = arith.select %eq3A_20, %jit3A_21, %jit3A_19 : i32
    %rem3A_23 = arith.remsi %add3A, %select_n3A_22 : i32
    %ne3A_24 = arith.constant 0 : i32
    %ne3A_25 = arith.cmpi ne, %rem3A_23, %ne3A_24 : i32
    %lt3A = arith.constant 0 : i32
    %lt3A_26 = arith.cmpi slt, %rem3A_23, %lt3A : i32
    %lt3A_27 = arith.constant 0 : i32
    %lt3A_28 = arith.cmpi slt, %select_n3A_22, %lt3A_27 : i32
    %ne3A_29 = arith.xori %lt3A_26, %lt3A_28 : i1
    %and3A_30 = arith.andi %ne3A_29, %ne3A_25 : i1
    %add3A_31 = arith.addi %rem3A_23, %select_n3A_22 : i32
    %select_n3A_32 = arith.select %and3A_30, %add3A_31, %rem3A_23 : i32
    %mul3A_33 = arith.constant 8192 : i32
    %mul3A_34 = arith.muli %select_n3A_32, %mul3A_33 : i32
    %dma_start3A = arith.constant 0 : i32
    %dma_start3A_35 = arith.constant 0 : i32
    %dma_start3A_36 = arith.constant 0 : i32
    %dma_start3A_37 = tpu.memref_slice %arg5[%dma_start3A, %dma_start3A_35, %dma_start3A_36] : memref<2x8x4096xf32, #tpu.memory_space<vmem>> -> memref<1x8x4096xf32, #tpu.memory_space<vmem>>
    %dma_start3A_38 = tpu.memref_squeeze %dma_start3A_37 : memref<1x8x4096xf32, #tpu.memory_space<vmem>> -> memref<8x4096xf32, #tpu.memory_space<vmem>>
    %dma_start3A_39 = tpu.memref_slice %arg2[%mul3A_18, %mul3A_34] : memref<64x32768xf32, #tpu.memory_space<hbm>> -> memref<8x4096xf32, #tpu.memory_space<hbm>>
    %dma_start3A_40 = arith.constant 0 : i32
    %dma_start3A_41 = arith.constant 0 : i32
    %dma_start3A_42 = tpu.memref_slice %arg5[%dma_start3A, %dma_start3A_40, %dma_start3A_41] : memref<2x8x4096xf32, #tpu.memory_space<vmem>> -> memref<1x8x4096xf32, #tpu.memory_space<vmem>>
    %dma_start3A_43 = tpu.memref_squeeze %dma_start3A_42 : memref<1x8x4096xf32, #tpu.memory_space<vmem>> -> memref<8x4096xf32, #tpu.memory_space<vmem>>
    %dma_start3A_44 = tpu.memref_slice %arg2[%mul3A_18, %mul3A_34] : memref<64x32768xf32, #tpu.memory_space<hbm>> -> memref<8x4096xf32, #tpu.memory_space<hbm>>
    tpu.enqueue_dma source(%dma_start3A_44 : memref<8x4096xf32, #tpu.memory_space<hbm>>) target(%dma_start3A_43 : memref<8x4096xf32, #tpu.memory_space<vmem>>) target_semaphore(%arg7 : memref<!tpu.dma_semaphore, #tpu.memory_space<semaphore_mem>>)
    %add3A_45 = arith.constant 4096 : i32
    %add3A_46 = arith.addi %mul3A_34, %add3A_45 : i32
    %dma_start3A_47 = arith.constant 1 : i32
    %dma_start3A_48 = arith.constant 0 : i32
    %dma_start3A_49 = arith.constant 0 : i32
    %dma_start3A_50 = tpu.memref_slice %arg5[%dma_start3A_47, %dma_start3A_48, %dma_start3A_49] : memref<2x8x4096xf32, #tpu.memory_space<vmem>> -> memref<1x8x4096xf32, #tpu.memory_space<vmem>>
    %dma_start3A_51 = tpu.memref_squeeze %dma_start3A_50 : memref<1x8x4096xf32, #tpu.memory_space<vmem>> -> memref<8x4096xf32, #tpu.memory_space<vmem>>
    %dma_start3A_52 = tpu.memref_slice %arg2[%mul3A_18, %add3A_46] : memref<64x32768xf32, #tpu.memory_space<hbm>> -> memref<8x4096xf32, #tpu.memory_space<hbm>>
    %dma_start3A_53 = arith.constant 0 : i32
    %dma_start3A_54 = arith.constant 0 : i32
    %dma_start3A_55 = tpu.memref_slice %arg5[%dma_start3A_47, %dma_start3A_53, %dma_start3A_54] : memref<2x8x4096xf32, #tpu.memory_space<vmem>> -> memref<1x8x4096xf32, #tpu.memory_space<vmem>>
    %dma_start3A_56 = tpu.memref_squeeze %dma_start3A_55 : memref<1x8x4096xf32, #tpu.memory_space<vmem>> -> memref<8x4096xf32, #tpu.memory_space<vmem>>
    %dma_start3A_57 = tpu.memref_slice %arg2[%mul3A_18, %add3A_46] : memref<64x32768xf32, #tpu.memory_space<hbm>> -> memref<8x4096xf32, #tpu.memory_space<hbm>>
    tpu.enqueue_dma source(%dma_start3A_57 : memref<8x4096xf32, #tpu.memory_space<hbm>>) target(%dma_start3A_56 : memref<8x4096xf32, #tpu.memory_space<vmem>>) target_semaphore(%arg8 : memref<!tpu.dma_semaphore, #tpu.memory_space<semaphore_mem>>)
    %broadcast_in_dim3A = arith.constant 0.000000e+00 : f32
    %broadcast_in_dim3A_58 = vector.broadcast %broadcast_in_dim3A : f32 to vector<16xf32>
    %broadcast_in_dim3A_59 = arith.constant 0 : i32
    %broadcast_in_dim3A_60 = vector.broadcast %broadcast_in_dim3A_59 : i32 to vector<16xi32>
    %dma_wait3A = arith.constant 0 : i32
    %dma_wait3A_61 = arith.constant 0 : i32
    %dma_wait3A_62 = arith.constant 0 : i32
    %dma_wait3A_63 = tpu.memref_slice %arg5[%dma_wait3A, %dma_wait3A_61, %dma_wait3A_62] : memref<2x8x4096xf32, #tpu.memory_space<vmem>> -> memref<1x8x4096xf32, #tpu.memory_space<vmem>>
    %dma_wait3A_64 = tpu.memref_squeeze %dma_wait3A_63 : memref<1x8x4096xf32, #tpu.memory_space<vmem>> -> memref<8x4096xf32, #tpu.memory_space<vmem>>
    %dma_wait3A_65 = tpu.memref_slice %arg2[%mul3A_18, %mul3A_34] : memref<64x32768xf32, #tpu.memory_space<hbm>> -> memref<8x4096xf32, #tpu.memory_space<hbm>>
    %dma_wait3A_66 = arith.constant 0 : i32
    %dma_wait3A_67 = arith.constant 0 : i32
    %dma_wait3A_68 = tpu.memref_slice %arg5[%dma_wait3A, %dma_wait3A_66, %dma_wait3A_67] : memref<2x8x4096xf32, #tpu.memory_space<vmem>> -> memref<1x8x4096xf32, #tpu.memory_space<vmem>>
    %dma_wait3A_69 = tpu.memref_squeeze %dma_wait3A_68 : memref<1x8x4096xf32, #tpu.memory_space<vmem>> -> memref<8x4096xf32, #tpu.memory_space<vmem>>
    %dma_wait3A_70 = tpu.memref_slice %arg2[%mul3A_18, %mul3A_34] : memref<64x32768xf32, #tpu.memory_space<hbm>> -> memref<8x4096xf32, #tpu.memory_space<hbm>>
    tpu.wait_dma2 semaphore(%arg7 : memref<!tpu.dma_semaphore, #tpu.memory_space<semaphore_mem>>) src(%dma_wait3A_70 : memref<8x4096xf32, #tpu.memory_space<hbm>>) dst(%dma_wait3A_69 : memref<8x4096xf32, #tpu.memory_space<vmem>>)
    %dma_start3A_71 = arith.constant 0 : i32
    %dma_start3A_72 = arith.constant 0 : i32
    %dma_start3A_73 = arith.constant 0 : i32
    %dma_start3A_74 = tpu.memref_slice %arg5[%dma_start3A_71, %dma_start3A_72, %dma_start3A_73] : memref<2x8x4096xf32, #tpu.memory_space<vmem>> -> memref<1x8x4096xf32, #tpu.memory_space<vmem>>
    %dma_start3A_75 = tpu.memref_squeeze %dma_start3A_74 : memref<1x8x4096xf32, #tpu.memory_space<vmem>> -> memref<8x4096xf32, #tpu.memory_space<vmem>>
    %dma_start3A_76 = tpu.memref_slice %arg4[%mul3A_18, %mul3A_34] : memref<64x32768xf32, #tpu.memory_space<hbm>> -> memref<8x4096xf32, #tpu.memory_space<hbm>>
    %dma_start3A_77 = tpu.memref_slice %arg4[%mul3A_18, %mul3A_34] : memref<64x32768xf32, #tpu.memory_space<hbm>> -> memref<8x4096xf32, #tpu.memory_space<hbm>>
    %dma_start3A_78 = arith.constant 0 : i32
    %dma_start3A_79 = arith.constant 0 : i32
    %dma_start3A_80 = tpu.memref_slice %arg5[%dma_start3A_71, %dma_start3A_78, %dma_start3A_79] : memref<2x8x4096xf32, #tpu.memory_space<vmem>> -> memref<1x8x4096xf32, #tpu.memory_space<vmem>>
    %dma_start3A_81 = tpu.memref_squeeze %dma_start3A_80 : memref<1x8x4096xf32, #tpu.memory_space<vmem>> -> memref<8x4096xf32, #tpu.memory_space<vmem>>
    tpu.enqueue_dma source(%dma_start3A_81 : memref<8x4096xf32, #tpu.memory_space<vmem>>) target(%dma_start3A_77 : memref<8x4096xf32, #tpu.memory_space<hbm>>) target_semaphore(%arg9 : memref<!tpu.dma_semaphore, #tpu.memory_space<semaphore_mem>>)
    %scan3A = arith.constant 0 : i32
    %scan3A_82 = arith.constant 8 : i32
    %scan3A_83 = arith.addi %scan3A, %scan3A_82 : i32
    %scan3A_84 = arith.constant 1 : i32
    %scan3A_85:12 = scf.for %scan3A_176 = %scan3A to %scan3A_83 step %scan3A_84 iter_args(%scan3A_177 = %broadcast_in_dim3A_58, %scan3A_178 = %broadcast_in_dim3A_58, %scan3A_179 = %broadcast_in_dim3A_60, %scan3A_180 = %broadcast_in_dim3A_58, %scan3A_181 = %broadcast_in_dim3A_58, %scan3A_182 = %broadcast_in_dim3A_60, %scan3A_183 = %broadcast_in_dim3A_58, %scan3A_184 = %broadcast_in_dim3A_58, %scan3A_185 = %broadcast_in_dim3A_60, %scan3A_186 = %broadcast_in_dim3A_58, %scan3A_187 = %broadcast_in_dim3A_58, %scan3A_188 = %broadcast_in_dim3A_60) -> (vector<16xf32>, vector<16xf32>, vector<16xi32>, vector<16xf32>, vector<16xf32>, vector<16xi32>, vector<16xf32>, vector<16xf32>, vector<16xi32>, vector<16xf32>, vector<16xf32>, vector<16xi32>)  : i32 {
      %parallel_loop3A = arith.constant 0 : i32
      %parallel_loop3A_189 = arith.constant 4096 : i32
      %parallel_loop3A_190 = arith.constant 64 : i32
      %parallel_loop3A_191:12 = scf.for %parallel_loop3A_192 = %parallel_loop3A to %parallel_loop3A_189 step %parallel_loop3A_190 iter_args(%parallel_loop3A_193 = %scan3A_177, %parallel_loop3A_194 = %scan3A_178, %parallel_loop3A_195 = %scan3A_179, %parallel_loop3A_196 = %scan3A_180, %parallel_loop3A_197 = %scan3A_181, %parallel_loop3A_198 = %scan3A_182, %parallel_loop3A_199 = %scan3A_183, %parallel_loop3A_200 = %scan3A_184, %parallel_loop3A_201 = %scan3A_185, %parallel_loop3A_202 = %scan3A_186, %parallel_loop3A_203 = %scan3A_187, %parallel_loop3A_204 = %scan3A_188) -> (vector<16xf32>, vector<16xf32>, vector<16xi32>, vector<16xf32>, vector<16xf32>, vector<16xi32>, vector<16xf32>, vector<16xf32>, vector<16xi32>, vector<16xf32>, vector<16xf32>, vector<16xi32>)  : i32 {
        %parallel_loop3A_205 = arith.constant 0 : i32
        %parallel_loop3A_206 = arith.addi %parallel_loop3A_192, %parallel_loop3A_205 : i32
        %parallel_loop3A_207 = arith.constant 0 : i32
        %parallel_loop3A_208 = arith.index_cast %parallel_loop3A_207 : i32 to index
        %parallel_loop3A_209 = arith.index_cast %scan3A_176 : i32 to index
        %parallel_loop3A_210 = arith.index_cast %parallel_loop3A_206 : i32 to index
        %parallel_loop3A_211 = tpu.vector_load %arg5[%parallel_loop3A_208, %parallel_loop3A_209, %parallel_loop3A_210] {strides = array<i32>} : memref<2x8x4096xf32, #tpu.memory_space<vmem>>, vector<16xf32>,
        %parallel_loop3A_212 = arith.addf %parallel_loop3A_193, %parallel_loop3A_211 : vector<16xf32>
        %parallel_loop3A_213 = arith.mulf %parallel_loop3A_211, %parallel_loop3A_211 : vector<16xf32>
        %parallel_loop3A_214 = arith.addf %parallel_loop3A_194, %parallel_loop3A_213 : vector<16xf32>
        %parallel_loop3A_215 = arith.constant 1.000000e-01 : f32
        %parallel_loop3A_216 = vector.broadcast %parallel_loop3A_215 : f32 to vector<16xf32>
        %parallel_loop3A_217 = arith.cmpf ogt, %parallel_loop3A_211, %parallel_loop3A_216 : vector<16xf32>
        %parallel_loop3A_218 = tpu.all_reduce %parallel_loop3A_217 {dim = 0 : i64, kind = #tpu.reduction_kind<sum>} : vector<16xi1> -> vector<16xi32>
        %parallel_loop3A_219 = arith.addi %parallel_loop3A_195, %parallel_loop3A_218 : vector<16xi32>
        %parallel_loop3A_220 = arith.constant 16 : i32
        %parallel_loop3A_221 = arith.addi %parallel_loop3A_192, %parallel_loop3A_220 : i32
        %parallel_loop3A_222 = arith.constant 0 : i32
        %parallel_loop3A_223 = arith.index_cast %parallel_loop3A_222 : i32 to index
        %parallel_loop3A_224 = arith.index_cast %scan3A_176 : i32 to index
        %parallel_loop3A_225 = arith.index_cast %parallel_loop3A_221 : i32 to index
        %parallel_loop3A_226 = tpu.vector_load %arg5[%parallel_loop3A_223, %parallel_loop3A_224, %parallel_loop3A_225] {strides = array<i32>} : memref<2x8x4096xf32, #tpu.memory_space<vmem>>, vector<16xf32>,
        %parallel_loop3A_227 = arith.addf %parallel_loop3A_196, %parallel_loop3A_226 : vector<16xf32>
        %parallel_loop3A_228 = arith.mulf %parallel_loop3A_226, %parallel_loop3A_226 : vector<16xf32>
        %parallel_loop3A_229 = arith.addf %parallel_loop3A_197, %parallel_loop3A_228 : vector<16xf32>
        %parallel_loop3A_230 = arith.constant 1.000000e-01 : f32
        %parallel_loop3A_231 = vector.broadcast %parallel_loop3A_230 : f32 to vector<16xf32>
        %parallel_loop3A_232 = arith.cmpf ogt, %parallel_loop3A_226, %parallel_loop3A_231 : vector<16xf32>
        %parallel_loop3A_233 = tpu.all_reduce %parallel_loop3A_232 {dim = 0 : i64, kind = #tpu.reduction_kind<sum>} : vector<16xi1> -> vector<16xi32>
        %parallel_loop3A_234 = arith.addi %parallel_loop3A_198, %parallel_loop3A_233 : vector<16xi32>
        %parallel_loop3A_235 = arith.constant 32 : i32
        %parallel_loop3A_236 = arith.addi %parallel_loop3A_192, %parallel_loop3A_235 : i32
        %parallel_loop3A_237 = arith.constant 0 : i32
        %parallel_loop3A_238 = arith.index_cast %parallel_loop3A_237 : i32 to index
        %parallel_loop3A_239 = arith.index_cast %scan3A_176 : i32 to index
        %parallel_loop3A_240 = arith.index_cast %parallel_loop3A_236 : i32 to index
        %parallel_loop3A_241 = tpu.vector_load %arg5[%parallel_loop3A_238, %parallel_loop3A_239, %parallel_loop3A_240] {strides = array<i32>} : memref<2x8x4096xf32, #tpu.memory_space<vmem>>, vector<16xf32>,
        %parallel_loop3A_242 = arith.addf %parallel_loop3A_199, %parallel_loop3A_241 : vector<16xf32>
        %parallel_loop3A_243 = arith.mulf %parallel_loop3A_241, %parallel_loop3A_241 : vector<16xf32>
        %parallel_loop3A_244 = arith.addf %parallel_loop3A_200, %parallel_loop3A_243 : vector<16xf32>
        %parallel_loop3A_245 = arith.constant 1.000000e-01 : f32
        %parallel_loop3A_246 = vector.broadcast %parallel_loop3A_245 : f32 to vector<16xf32>
        %parallel_loop3A_247 = arith.cmpf ogt, %parallel_loop3A_241, %parallel_loop3A_246 : vector<16xf32>
        %parallel_loop3A_248 = tpu.all_reduce %parallel_loop3A_247 {dim = 0 : i64, kind = #tpu.reduction_kind<sum>} : vector<16xi1> -> vector<16xi32>
        %parallel_loop3A_249 = arith.addi %parallel_loop3A_201, %parallel_loop3A_248 : vector<16xi32>
        %parallel_loop3A_250 = arith.constant 48 : i32
        %parallel_loop3A_251 = arith.addi %parallel_loop3A_192, %parallel_loop3A_250 : i32
        %parallel_loop3A_252 = arith.constant 0 : i32
        %parallel_loop3A_253 = arith.index_cast %parallel_loop3A_252 : i32 to index
        %parallel_loop3A_254 = arith.index_cast %scan3A_176 : i32 to index
        %parallel_loop3A_255 = arith.index_cast %parallel_loop3A_251 : i32 to index
        %parallel_loop3A_256 = tpu.vector_load %arg5[%parallel_loop3A_253, %parallel_loop3A_254, %parallel_loop3A_255] {strides = array<i32>} : memref<2x8x4096xf32, #tpu.memory_space<vmem>>, vector<16xf32>,
        %parallel_loop3A_257 = arith.addf %parallel_loop3A_202, %parallel_loop3A_256 : vector<16xf32>
        %parallel_loop3A_258 = arith.mulf %parallel_loop3A_256, %parallel_loop3A_256 : vector<16xf32>
        %parallel_loop3A_259 = arith.addf %parallel_loop3A_203, %parallel_loop3A_258 : vector<16xf32>
        %parallel_loop3A_260 = arith.constant 1.000000e-01 : f32
        %parallel_loop3A_261 = vector.broadcast %parallel_loop3A_260 : f32 to vector<16xf32>
        %parallel_loop3A_262 = arith.cmpf ogt, %parallel_loop3A_256, %parallel_loop3A_261 : vector<16xf32>
        %parallel_loop3A_263 = tpu.all_reduce %parallel_loop3A_262 {dim = 0 : i64, kind = #tpu.reduction_kind<sum>} : vector<16xi1> -> vector<16xi32>
        %parallel_loop3A_264 = arith.addi %parallel_loop3A_204, %parallel_loop3A_263 : vector<16xi32>
        scf.yield %parallel_loop3A_212, %parallel_loop3A_214, %parallel_loop3A_219, %parallel_loop3A_227, %parallel_loop3A_229, %parallel_loop3A_234, %parallel_loop3A_242, %parallel_loop3A_244, %parallel_loop3A_249, %parallel_loop3A_257, %parallel_loop3A_259, %parallel_loop3A_264 : vector<16xf32>, vector<16xf32>, vector<16xi32>, vector<16xf32>, vector<16xf32>, vector<16xi32>, vector<16xf32>, vector<16xf32>, vector<16xi32>, vector<16xf32>, vector<16xf32>, vector<16xi32>
      } {sc.loop_unroll_factor = 2 : i64, sc.parallel_access}
      scf.yield %parallel_loop3A_191#0, %parallel_loop3A_191#1, %parallel_loop3A_191#2, %parallel_loop3A_191#3, %parallel_loop3A_191#4, %parallel_loop3A_191#5, %parallel_loop3A_191#6, %parallel_loop3A_191#7, %parallel_loop3A_191#8, %parallel_loop3A_191#9, %parallel_loop3A_191#10, %parallel_loop3A_191#11 : vector<16xf32>, vector<16xf32>, vector<16xi32>, vector<16xf32>, vector<16xf32>, vector<16xi32>, vector<16xf32>, vector<16xf32>, vector<16xi32>, vector<16xf32>, vector<16xf32>, vector<16xi32>
    }
    %scan3A_86 = arith.constant 8 : i32
    %dma_wait3A_87 = arith.constant 1 : i32
    %dma_wait3A_88 = arith.constant 0 : i32
    %dma_wait3A_89 = arith.constant 0 : i32
    %dma_wait3A_90 = tpu.memref_slice %arg5[%dma_wait3A_87, %dma_wait3A_88, %dma_wait3A_89] : memref<2x8x4096xf32, #tpu.memory_space<vmem>> -> memref<1x8x4096xf32, #tpu.memory_space<vmem>>
    %dma_wait3A_91 = tpu.memref_squeeze %dma_wait3A_90 : memref<1x8x4096xf32, #tpu.memory_space<vmem>> -> memref<8x4096xf32, #tpu.memory_space<vmem>>
    %dma_wait3A_92 = tpu.memref_slice %arg2[%mul3A_18, %add3A_46] : memref<64x32768xf32, #tpu.memory_space<hbm>> -> memref<8x4096xf32, #tpu.memory_space<hbm>>
    %dma_wait3A_93 = arith.constant 0 : i32
    %dma_wait3A_94 = arith.constant 0 : i32
    %dma_wait3A_95 = tpu.memref_slice %arg5[%dma_wait3A_87, %dma_wait3A_93, %dma_wait3A_94] : memref<2x8x4096xf32, #tpu.memory_space<vmem>> -> memref<1x8x4096xf32, #tpu.memory_space<vmem>>
    %dma_wait3A_96 = tpu.memref_squeeze %dma_wait3A_95 : memref<1x8x4096xf32, #tpu.memory_space<vmem>> -> memref<8x4096xf32, #tpu.memory_space<vmem>>
    %dma_wait3A_97 = tpu.memref_slice %arg2[%mul3A_18, %add3A_46] : memref<64x32768xf32, #tpu.memory_space<hbm>> -> memref<8x4096xf32, #tpu.memory_space<hbm>>
    tpu.wait_dma2 semaphore(%arg8 : memref<!tpu.dma_semaphore, #tpu.memory_space<semaphore_mem>>) src(%dma_wait3A_97 : memref<8x4096xf32, #tpu.memory_space<hbm>>) dst(%dma_wait3A_96 : memref<8x4096xf32, #tpu.memory_space<vmem>>)
    %add3A_98 = arith.constant 4096 : i32
    %add3A_99 = arith.addi %mul3A_34, %add3A_98 : i32
    %dma_start3A_100 = arith.constant 1 : i32
    %dma_start3A_101 = arith.constant 0 : i32
    %dma_start3A_102 = arith.constant 0 : i32
    %dma_start3A_103 = tpu.memref_slice %arg5[%dma_start3A_100, %dma_start3A_101, %dma_start3A_102] : memref<2x8x4096xf32, #tpu.memory_space<vmem>> -> memref<1x8x4096xf32, #tpu.memory_space<vmem>>
    %dma_start3A_104 = tpu.memref_squeeze %dma_start3A_103 : memref<1x8x4096xf32, #tpu.memory_space<vmem>> -> memref<8x4096xf32, #tpu.memory_space<vmem>>
    %dma_start3A_105 = tpu.memref_slice %arg4[%mul3A_18, %add3A_99] : memref<64x32768xf32, #tpu.memory_space<hbm>> -> memref<8x4096xf32, #tpu.memory_space<hbm>>
    %dma_start3A_106 = tpu.memref_slice %arg4[%mul3A_18, %add3A_99] : memref<64x32768xf32, #tpu.memory_space<hbm>> -> memref<8x4096xf32, #tpu.memory_space<hbm>>
    %dma_start3A_107 = arith.constant 0 : i32
    %dma_start3A_108 = arith.constant 0 : i32
    %dma_start3A_109 = tpu.memref_slice %arg5[%dma_start3A_100, %dma_start3A_107, %dma_start3A_108] : memref<2x8x4096xf32, #tpu.memory_space<vmem>> -> memref<1x8x4096xf32, #tpu.memory_space<vmem>>
    %dma_start3A_110 = tpu.memref_squeeze %dma_start3A_109 : memref<1x8x4096xf32, #tpu.memory_space<vmem>> -> memref<8x4096xf32, #tpu.memory_space<vmem>>
    tpu.enqueue_dma source(%dma_start3A_110 : memref<8x4096xf32, #tpu.memory_space<vmem>>) target(%dma_start3A_106 : memref<8x4096xf32, #tpu.memory_space<hbm>>) target_semaphore(%arg10 : memref<!tpu.dma_semaphore, #tpu.memory_space<semaphore_mem>>)
    %scan3A_111 = arith.constant 0 : i32
    %scan3A_112 = arith.constant 8 : i32
    %scan3A_113 = arith.addi %scan3A_111, %scan3A_112 : i32
    %scan3A_114 = arith.constant 1 : i32
    %scan3A_115:12 = scf.for %scan3A_176 = %scan3A_111 to %scan3A_113 step %scan3A_114 iter_args(%scan3A_177 = %scan3A_85#0, %scan3A_178 = %scan3A_85#1, %scan3A_179 = %scan3A_85#2, %scan3A_180 = %scan3A_85#3, %scan3A_181 = %scan3A_85#4, %scan3A_182 = %scan3A_85#5, %scan3A_183 = %scan3A_85#6, %scan3A_184 = %scan3A_85#7, %scan3A_185 = %scan3A_85#8, %scan3A_186 = %scan3A_85#9, %scan3A_187 = %scan3A_85#10, %scan3A_188 = %scan3A_85#11) -> (vector<16xf32>, vector<16xf32>, vector<16xi32>, vector<16xf32>, vector<16xf32>, vector<16xi32>, vector<16xf32>, vector<16xf32>, vector<16xi32>, vector<16xf32>, vector<16xf32>, vector<16xi32>)  : i32 {
      %parallel_loop3A = arith.constant 0 : i32
      %parallel_loop3A_189 = arith.constant 4096 : i32
      %parallel_loop3A_190 = arith.constant 64 : i32
      %parallel_loop3A_191:12 = scf.for %parallel_loop3A_192 = %parallel_loop3A to %parallel_loop3A_189 step %parallel_loop3A_190 iter_args(%parallel_loop3A_193 = %scan3A_177, %parallel_loop3A_194 = %scan3A_178, %parallel_loop3A_195 = %scan3A_179, %parallel_loop3A_196 = %scan3A_180, %parallel_loop3A_197 = %scan3A_181, %parallel_loop3A_198 = %scan3A_182, %parallel_loop3A_199 = %scan3A_183, %parallel_loop3A_200 = %scan3A_184, %parallel_loop3A_201 = %scan3A_185, %parallel_loop3A_202 = %scan3A_186, %parallel_loop3A_203 = %scan3A_187, %parallel_loop3A_204 = %scan3A_188) -> (vector<16xf32>, vector<16xf32>, vector<16xi32>, vector<16xf32>, vector<16xf32>, vector<16xi32>, vector<16xf32>, vector<16xf32>, vector<16xi32>, vector<16xf32>, vector<16xf32>, vector<16xi32>)  : i32 {
        %parallel_loop3A_205 = arith.constant 0 : i32
        %parallel_loop3A_206 = arith.addi %parallel_loop3A_192, %parallel_loop3A_205 : i32
        %parallel_loop3A_207 = arith.constant 1 : i32
        %parallel_loop3A_208 = arith.index_cast %parallel_loop3A_207 : i32 to index
        %parallel_loop3A_209 = arith.index_cast %scan3A_176 : i32 to index
        %parallel_loop3A_210 = arith.index_cast %parallel_loop3A_206 : i32 to index
        %parallel_loop3A_211 = tpu.vector_load %arg5[%parallel_loop3A_208, %parallel_loop3A_209, %parallel_loop3A_210] {strides = array<i32>} : memref<2x8x4096xf32, #tpu.memory_space<vmem>>, vector<16xf32>,
        %parallel_loop3A_212 = arith.addf %parallel_loop3A_193, %parallel_loop3A_211 : vector<16xf32>
        %parallel_loop3A_213 = arith.mulf %parallel_loop3A_211, %parallel_loop3A_211 : vector<16xf32>
        %parallel_loop3A_214 = arith.addf %parallel_loop3A_194, %parallel_loop3A_213 : vector<16xf32>
        %parallel_loop3A_215 = arith.constant 1.000000e-01 : f32
        %parallel_loop3A_216 = vector.broadcast %parallel_loop3A_215 : f32 to vector<16xf32>
        %parallel_loop3A_217 = arith.cmpf ogt, %parallel_loop3A_211, %parallel_loop3A_216 : vector<16xf32>
        %parallel_loop3A_218 = tpu.all_reduce %parallel_loop3A_217 {dim = 0 : i64, kind = #tpu.reduction_kind<sum>} : vector<16xi1> -> vector<16xi32>
        %parallel_loop3A_219 = arith.addi %parallel_loop3A_195, %parallel_loop3A_218 : vector<16xi32>
        %parallel_loop3A_220 = arith.constant 16 : i32
        %parallel_loop3A_221 = arith.addi %parallel_loop3A_192, %parallel_loop3A_220 : i32
        %parallel_loop3A_222 = arith.constant 1 : i32
        %parallel_loop3A_223 = arith.index_cast %parallel_loop3A_222 : i32 to index
        %parallel_loop3A_224 = arith.index_cast %scan3A_176 : i32 to index
        %parallel_loop3A_225 = arith.index_cast %parallel_loop3A_221 : i32 to index
        %parallel_loop3A_226 = tpu.vector_load %arg5[%parallel_loop3A_223, %parallel_loop3A_224, %parallel_loop3A_225] {strides = array<i32>} : memref<2x8x4096xf32, #tpu.memory_space<vmem>>, vector<16xf32>,
        %parallel_loop3A_227 = arith.addf %parallel_loop3A_196, %parallel_loop3A_226 : vector<16xf32>
        %parallel_loop3A_228 = arith.mulf %parallel_loop3A_226, %parallel_loop3A_226 : vector<16xf32>
        %parallel_loop3A_229 = arith.addf %parallel_loop3A_197, %parallel_loop3A_228 : vector<16xf32>
        %parallel_loop3A_230 = arith.constant 1.000000e-01 : f32
        %parallel_loop3A_231 = vector.broadcast %parallel_loop3A_230 : f32 to vector<16xf32>
        %parallel_loop3A_232 = arith.cmpf ogt, %parallel_loop3A_226, %parallel_loop3A_231 : vector<16xf32>
        %parallel_loop3A_233 = tpu.all_reduce %parallel_loop3A_232 {dim = 0 : i64, kind = #tpu.reduction_kind<sum>} : vector<16xi1> -> vector<16xi32>
        %parallel_loop3A_234 = arith.addi %parallel_loop3A_198, %parallel_loop3A_233 : vector<16xi32>
        %parallel_loop3A_235 = arith.constant 32 : i32
        %parallel_loop3A_236 = arith.addi %parallel_loop3A_192, %parallel_loop3A_235 : i32
        %parallel_loop3A_237 = arith.constant 1 : i32
        %parallel_loop3A_238 = arith.index_cast %parallel_loop3A_237 : i32 to index
        %parallel_loop3A_239 = arith.index_cast %scan3A_176 : i32 to index
        %parallel_loop3A_240 = arith.index_cast %parallel_loop3A_236 : i32 to index
        %parallel_loop3A_241 = tpu.vector_load %arg5[%parallel_loop3A_238, %parallel_loop3A_239, %parallel_loop3A_240] {strides = array<i32>} : memref<2x8x4096xf32, #tpu.memory_space<vmem>>, vector<16xf32>,
        %parallel_loop3A_242 = arith.addf %parallel_loop3A_199, %parallel_loop3A_241 : vector<16xf32>
        %parallel_loop3A_243 = arith.mulf %parallel_loop3A_241, %parallel_loop3A_241 : vector<16xf32>
        %parallel_loop3A_244 = arith.addf %parallel_loop3A_200, %parallel_loop3A_243 : vector<16xf32>
        %parallel_loop3A_245 = arith.constant 1.000000e-01 : f32
        %parallel_loop3A_246 = vector.broadcast %parallel_loop3A_245 : f32 to vector<16xf32>
        %parallel_loop3A_247 = arith.cmpf ogt, %parallel_loop3A_241, %parallel_loop3A_246 : vector<16xf32>
        %parallel_loop3A_248 = tpu.all_reduce %parallel_loop3A_247 {dim = 0 : i64, kind = #tpu.reduction_kind<sum>} : vector<16xi1> -> vector<16xi32>
        %parallel_loop3A_249 = arith.addi %parallel_loop3A_201, %parallel_loop3A_248 : vector<16xi32>
        %parallel_loop3A_250 = arith.constant 48 : i32
        %parallel_loop3A_251 = arith.addi %parallel_loop3A_192, %parallel_loop3A_250 : i32
        %parallel_loop3A_252 = arith.constant 1 : i32
        %parallel_loop3A_253 = arith.index_cast %parallel_loop3A_252 : i32 to index
        %parallel_loop3A_254 = arith.index_cast %scan3A_176 : i32 to index
        %parallel_loop3A_255 = arith.index_cast %parallel_loop3A_251 : i32 to index
        %parallel_loop3A_256 = tpu.vector_load %arg5[%parallel_loop3A_253, %parallel_loop3A_254, %parallel_loop3A_255] {strides = array<i32>} : memref<2x8x4096xf32, #tpu.memory_space<vmem>>, vector<16xf32>,
        %parallel_loop3A_257 = arith.addf %parallel_loop3A_202, %parallel_loop3A_256 : vector<16xf32>
        %parallel_loop3A_258 = arith.mulf %parallel_loop3A_256, %parallel_loop3A_256 : vector<16xf32>
        %parallel_loop3A_259 = arith.addf %parallel_loop3A_203, %parallel_loop3A_258 : vector<16xf32>
        %parallel_loop3A_260 = arith.constant 1.000000e-01 : f32
        %parallel_loop3A_261 = vector.broadcast %parallel_loop3A_260 : f32 to vector<16xf32>
        %parallel_loop3A_262 = arith.cmpf ogt, %parallel_loop3A_256, %parallel_loop3A_261 : vector<16xf32>
        %parallel_loop3A_263 = tpu.all_reduce %parallel_loop3A_262 {dim = 0 : i64, kind = #tpu.reduction_kind<sum>} : vector<16xi1> -> vector<16xi32>
        %parallel_loop3A_264 = arith.addi %parallel_loop3A_204, %parallel_loop3A_263 : vector<16xi32>
        scf.yield %parallel_loop3A_212, %parallel_loop3A_214, %parallel_loop3A_219, %parallel_loop3A_227, %parallel_loop3A_229, %parallel_loop3A_234, %parallel_loop3A_242, %parallel_loop3A_244, %parallel_loop3A_249, %parallel_loop3A_257, %parallel_loop3A_259, %parallel_loop3A_264 : vector<16xf32>, vector<16xf32>, vector<16xi32>, vector<16xf32>, vector<16xf32>, vector<16xi32>, vector<16xf32>, vector<16xf32>, vector<16xi32>, vector<16xf32>, vector<16xf32>, vector<16xi32>
      } {sc.loop_unroll_factor = 2 : i64, sc.parallel_access}
      scf.yield %parallel_loop3A_191#0, %parallel_loop3A_191#1, %parallel_loop3A_191#2, %parallel_loop3A_191#3, %parallel_loop3A_191#4, %parallel_loop3A_191#5, %parallel_loop3A_191#6, %parallel_loop3A_191#7, %parallel_loop3A_191#8, %parallel_loop3A_191#9, %parallel_loop3A_191#10, %parallel_loop3A_191#11 : vector<16xf32>, vector<16xf32>, vector<16xi32>, vector<16xf32>, vector<16xf32>, vector<16xi32>, vector<16xf32>, vector<16xf32>, vector<16xi32>, vector<16xf32>, vector<16xf32>, vector<16xi32>
    }
    %scan3A_116 = arith.constant 8 : i32
    %dma_wait3A_117 = arith.constant 0 : i32
    %dma_wait3A_118 = arith.constant 0 : i32
    %dma_wait3A_119 = arith.constant 0 : i32
    %dma_wait3A_120 = tpu.memref_slice %arg5[%dma_wait3A_117, %dma_wait3A_118, %dma_wait3A_119] : memref<2x8x4096xf32, #tpu.memory_space<vmem>> -> memref<1x8x4096xf32, #tpu.memory_space<vmem>>
    %dma_wait3A_121 = tpu.memref_squeeze %dma_wait3A_120 : memref<1x8x4096xf32, #tpu.memory_space<vmem>> -> memref<8x4096xf32, #tpu.memory_space<vmem>>
    %dma_wait3A_122 = tpu.memref_slice %arg4[%mul3A_18, %mul3A_34] : memref<64x32768xf32, #tpu.memory_space<hbm>> -> memref<8x4096xf32, #tpu.memory_space<hbm>>
    %dma_wait3A_123 = tpu.memref_slice %arg4[%mul3A_18, %mul3A_34] : memref<64x32768xf32, #tpu.memory_space<hbm>> -> memref<8x4096xf32, #tpu.memory_space<hbm>>
    %dma_wait3A_124 = arith.constant 0 : i32
    %dma_wait3A_125 = arith.constant 0 : i32
    %dma_wait3A_126 = tpu.memref_slice %arg5[%dma_wait3A_117, %dma_wait3A_124, %dma_wait3A_125] : memref<2x8x4096xf32, #tpu.memory_space<vmem>> -> memref<1x8x4096xf32, #tpu.memory_space<vmem>>
    %dma_wait3A_127 = tpu.memref_squeeze %dma_wait3A_126 : memref<1x8x4096xf32, #tpu.memory_space<vmem>> -> memref<8x4096xf32, #tpu.memory_space<vmem>>
    tpu.wait_dma2 semaphore(%arg9 : memref<!tpu.dma_semaphore, #tpu.memory_space<semaphore_mem>>) src(%dma_wait3A_127 : memref<8x4096xf32, #tpu.memory_space<vmem>>) dst(%dma_wait3A_123 : memref<8x4096xf32, #tpu.memory_space<hbm>>)
    %dma_wait3A_128 = arith.constant 1 : i32
    %dma_wait3A_129 = arith.constant 0 : i32
    %dma_wait3A_130 = arith.constant 0 : i32
    %dma_wait3A_131 = tpu.memref_slice %arg5[%dma_wait3A_128, %dma_wait3A_129, %dma_wait3A_130] : memref<2x8x4096xf32, #tpu.memory_space<vmem>> -> memref<1x8x4096xf32, #tpu.memory_space<vmem>>
    %dma_wait3A_132 = tpu.memref_squeeze %dma_wait3A_131 : memref<1x8x4096xf32, #tpu.memory_space<vmem>> -> memref<8x4096xf32, #tpu.memory_space<vmem>>
    %dma_wait3A_133 = tpu.memref_slice %arg4[%mul3A_18, %add3A_99] : memref<64x32768xf32, #tpu.memory_space<hbm>> -> memref<8x4096xf32, #tpu.memory_space<hbm>>
    %dma_wait3A_134 = tpu.memref_slice %arg4[%mul3A_18, %add3A_99] : memref<64x32768xf32, #tpu.memory_space<hbm>> -> memref<8x4096xf32, #tpu.memory_space<hbm>>
    %dma_wait3A_135 = arith.constant 0 : i32
    %dma_wait3A_136 = arith.constant 0 : i32
    %dma_wait3A_137 = tpu.memref_slice %arg5[%dma_wait3A_128, %dma_wait3A_135, %dma_wait3A_136] : memref<2x8x4096xf32, #tpu.memory_space<vmem>> -> memref<1x8x4096xf32, #tpu.memory_space<vmem>>
    %dma_wait3A_138 = tpu.memref_squeeze %dma_wait3A_137 : memref<1x8x4096xf32, #tpu.memory_space<vmem>> -> memref<8x4096xf32, #tpu.memory_space<vmem>>
    tpu.wait_dma2 semaphore(%arg10 : memref<!tpu.dma_semaphore, #tpu.memory_space<semaphore_mem>>) src(%dma_wait3A_138 : memref<8x4096xf32, #tpu.memory_space<vmem>>) dst(%dma_wait3A_134 : memref<8x4096xf32, #tpu.memory_space<hbm>>)
    %add3A_139 = arith.addf %scan3A_115#0, %scan3A_115#3 : vector<16xf32>
    %add3A_140 = arith.addf %scan3A_115#6, %scan3A_115#9 : vector<16xf32>
    %add3A_141 = arith.addf %add3A_139, %add3A_140 : vector<16xf32>
    %add3A_142 = arith.addf %scan3A_115#1, %scan3A_115#4 : vector<16xf32>
    %add3A_143 = arith.addf %scan3A_115#7, %scan3A_115#10 : vector<16xf32>
    %add3A_144 = arith.addf %add3A_142, %add3A_143 : vector<16xf32>
    %add3A_145 = arith.addi %scan3A_115#2, %scan3A_115#5 : vector<16xi32>
    %add3A_146 = arith.addi %scan3A_115#8, %scan3A_115#11 : vector<16xi32>
    %add3A_147 = arith.addi %add3A_145, %add3A_146 : vector<16xi32>
    %swap3A = arith.constant 0 : i32
    %swap3A_148 = arith.index_cast %swap3A : i32 to index
    %swap3A_149 = arith.constant 0 : index
    %swap3A_150 = tpu.vector_load %arg6[%swap3A_148, %swap3A_149] {strides = array<i32>} : memref<3x16xf32, #tpu.memory_space<vmem>>, vector<16xf32>,
    tpu.vector_store %arg6[%swap3A_148, %swap3A_149], %add3A_141 {strides = array<i32>} : memref<3x16xf32, #tpu.memory_space<vmem>>, vector<16xf32>,
    %swap3A_151 = arith.constant 1 : i32
    %swap3A_152 = arith.index_cast %swap3A_151 : i32 to index
    %swap3A_153 = arith.constant 0 : index
    %swap3A_154 = tpu.vector_load %arg6[%swap3A_152, %swap3A_153] {strides = array<i32>} : memref<3x16xf32, #tpu.memory_space<vmem>>, vector<16xf32>,
    tpu.vector_store %arg6[%swap3A_152, %swap3A_153], %add3A_144 {strides = array<i32>} : memref<3x16xf32, #tpu.memory_space<vmem>>, vector<16xf32>,
    %convert_element_type3A = arith.sitofp %add3A_147 : vector<16xi32> to vector<16xf32>
    %mul3A_155 = arith.constant 6.250000e-02 : f32
    %mul3A_156 = vector.broadcast %mul3A_155 : f32 to vector<16xf32>
    %mul3A_157 = arith.mulf %convert_element_type3A, %mul3A_156 : vector<16xf32>
    %swap3A_158 = arith.constant 2 : i32
    %swap3A_159 = arith.index_cast %swap3A_158 : i32 to index
    %swap3A_160 = arith.constant 0 : index
    %swap3A_161 = tpu.vector_load %arg6[%swap3A_159, %swap3A_160] {strides = array<i32>} : memref<3x16xf32, #tpu.memory_space<vmem>>, vector<16xf32>,
    tpu.vector_store %arg6[%swap3A_159, %swap3A_160], %mul3A_157 {strides = array<i32>} : memref<3x16xf32, #tpu.memory_space<vmem>>, vector<16xf32>,
    %add3A_162 = arith.constant 0 : i32
    %add3A_163 = arith.addi %add3A_162, %add3A : i32
    %mul3A_164 = arith.constant 16 : i32
    %mul3A_165 = arith.muli %add3A_163, %mul3A_164 : i32
    %run_scoped3A = arith.constant 0 : i32
    "tpu.region"() ({
      %run_scoped3A_176 = tpu.sem_alloc : memref<!tpu.dma_semaphore, #tpu.memory_space<semaphore_mem>>
      %dma_start3A_177 = arith.constant 0 : i32
      %dma_start3A_178 = tpu.memref_slice %arg6[%run_scoped3A, %dma_start3A_177] : memref<3x16xf32, #tpu.memory_space<vmem>> -> memref<1x16xf32, #tpu.memory_space<vmem>>
      %dma_start3A_179 = tpu.memref_squeeze %dma_start3A_178 : memref<1x16xf32, #tpu.memory_space<vmem>> -> memref<16xf32, #tpu.memory_space<vmem>>
      %dma_start3A_180 = tpu.memref_slice %arg3[%mul3A_165] : memref<1536xf32, #tpu.memory_space<hbm>> -> memref<16xf32, #tpu.memory_space<hbm>>
      %dma_start3A_181 = tpu.memref_slice %arg3[%mul3A_165] : memref<1536xf32, #tpu.memory_space<hbm>> -> memref<16xf32, #tpu.memory_space<hbm>>
      %dma_start3A_182 = arith.constant 0 : i32
      %dma_start3A_183 = tpu.memref_slice %arg6[%run_scoped3A, %dma_start3A_182] : memref<3x16xf32, #tpu.memory_space<vmem>> -> memref<1x16xf32, #tpu.memory_space<vmem>>
      %dma_start3A_184 = tpu.memref_squeeze %dma_start3A_183 : memref<1x16xf32, #tpu.memory_space<vmem>> -> memref<16xf32, #tpu.memory_space<vmem>>
      tpu.enqueue_dma source(%dma_start3A_184 : memref<16xf32, #tpu.memory_space<vmem>>) target(%dma_start3A_181 : memref<16xf32, #tpu.memory_space<hbm>>) target_semaphore(%run_scoped3A_176 : memref<!tpu.dma_semaphore, #tpu.memory_space<semaphore_mem>>)
      %dma_wait3A_185 = arith.constant 0 : i32
      %dma_wait3A_186 = tpu.memref_slice %arg6[%run_scoped3A, %dma_wait3A_185] : memref<3x16xf32, #tpu.memory_space<vmem>> -> memref<1x16xf32, #tpu.memory_space<vmem>>
      %dma_wait3A_187 = tpu.memref_squeeze %dma_wait3A_186 : memref<1x16xf32, #tpu.memory_space<vmem>> -> memref<16xf32, #tpu.memory_space<vmem>>
      %dma_wait3A_188 = tpu.memref_slice %arg3[%mul3A_165] : memref<1536xf32, #tpu.memory_space<hbm>> -> memref<16xf32, #tpu.memory_space<hbm>>
      %dma_wait3A_189 = tpu.memref_slice %arg3[%mul3A_165] : memref<1536xf32, #tpu.memory_space<hbm>> -> memref<16xf32, #tpu.memory_space<hbm>>
      %dma_wait3A_190 = arith.constant 0 : i32
      %dma_wait3A_191 = tpu.memref_slice %arg6[%run_scoped3A, %dma_wait3A_190] : memref<3x16xf32, #tpu.memory_space<vmem>> -> memref<1x16xf32, #tpu.memory_space<vmem>>
      %dma_wait3A_192 = tpu.memref_squeeze %dma_wait3A_191 : memref<1x16xf32, #tpu.memory_space<vmem>> -> memref<16xf32, #tpu.memory_space<vmem>>
      tpu.wait_dma2 semaphore(%run_scoped3A_176 : memref<!tpu.dma_semaphore, #tpu.memory_space<semaphore_mem>>) src(%dma_wait3A_192 : memref<16xf32, #tpu.memory_space<vmem>>) dst(%dma_wait3A_189 : memref<16xf32, #tpu.memory_space<hbm>>)
      tpu.yield
    }) : () -> ()
    %add3A_166 = arith.constant 32 : i32
    %add3A_167 = arith.addi %add3A_166, %add3A : i32
    %mul3A_168 = arith.constant 16 : i32
    %mul3A_169 = arith.muli %add3A_167, %mul3A_168 : i32
    %run_scoped3A_170 = arith.constant 1 : i32
    "tpu.region"() ({
      %run_scoped3A_176 = tpu.sem_alloc : memref<!tpu.dma_semaphore, #tpu.memory_space<semaphore_mem>>
      %dma_start3A_177 = arith.constant 0 : i32
      %dma_start3A_178 = tpu.memref_slice %arg6[%run_scoped3A_170, %dma_start3A_177] : memref<3x16xf32, #tpu.memory_space<vmem>> -> memref<1x16xf32, #tpu.memory_space<vmem>>
      %dma_start3A_179 = tpu.memref_squeeze %dma_start3A_178 : memref<1x16xf32, #tpu.memory_space<vmem>> -> memref<16xf32, #tpu.memory_space<vmem>>
      %dma_start3A_180 = tpu.memref_slice %arg3[%mul3A_169] : memref<1536xf32, #tpu.memory_space<hbm>> -> memref<16xf32, #tpu.memory_space<hbm>>
      %dma_start3A_181 = tpu.memref_slice %arg3[%mul3A_169] : memref<1536xf32, #tpu.memory_space<hbm>> -> memref<16xf32, #tpu.memory_space<hbm>>
      %dma_start3A_182 = arith.constant 0 : i32
      %dma_start3A_183 = tpu.memref_slice %arg6[%run_scoped3A_170, %dma_start3A_182] : memref<3x16xf32, #tpu.memory_space<vmem>> -> memref<1x16xf32, #tpu.memory_space<vmem>>
      %dma_start3A_184 = tpu.memref_squeeze %dma_start3A_183 : memref<1x16xf32, #tpu.memory_space<vmem>> -> memref<16xf32, #tpu.memory_space<vmem>>
      tpu.enqueue_dma source(%dma_start3A_184 : memref<16xf32, #tpu.memory_space<vmem>>) target(%dma_start3A_181 : memref<16xf32, #tpu.memory_space<hbm>>) target_semaphore(%run_scoped3A_176 : memref<!tpu.dma_semaphore, #tpu.memory_space<semaphore_mem>>)
      %dma_wait3A_185 = arith.constant 0 : i32
      %dma_wait3A_186 = tpu.memref_slice %arg6[%run_scoped3A_170, %dma_wait3A_185] : memref<3x16xf32, #tpu.memory_space<vmem>> -> memref<1x16xf32, #tpu.memory_space<vmem>>
      %dma_wait3A_187 = tpu.memref_squeeze %dma_wait3A_186 : memref<1x16xf32, #tpu.memory_space<vmem>> -> memref<16xf32, #tpu.memory_space<vmem>>
      %dma_wait3A_188 = tpu.memref_slice %arg3[%mul3A_169] : memref<1536xf32, #tpu.memory_space<hbm>> -> memref<16xf32, #tpu.memory_space<hbm>>
      %dma_wait3A_189 = tpu.memref_slice %arg3[%mul3A_169] : memref<1536xf32, #tpu.memory_space<hbm>> -> memref<16xf32, #tpu.memory_space<hbm>>
      %dma_wait3A_190 = arith.constant 0 : i32
      %dma_wait3A_191 = tpu.memref_slice %arg6[%run_scoped3A_170, %dma_wait3A_190] : memref<3x16xf32, #tpu.memory_space<vmem>> -> memref<1x16xf32, #tpu.memory_space<vmem>>
      %dma_wait3A_192 = tpu.memref_squeeze %dma_wait3A_191 : memref<1x16xf32, #tpu.memory_space<vmem>> -> memref<16xf32, #tpu.memory_space<vmem>>
      tpu.wait_dma2 semaphore(%run_scoped3A_176 : memref<!tpu.dma_semaphore, #tpu.memory_space<semaphore_mem>>) src(%dma_wait3A_192 : memref<16xf32, #tpu.memory_space<vmem>>) dst(%dma_wait3A_189 : memref<16xf32, #tpu.memory_space<hbm>>)
      tpu.yield
    }) : () -> ()
    %add3A_171 = arith.constant 64 : i32
    %add3A_172 = arith.addi %add3A_171, %add3A : i32
    %mul3A_173 = arith.constant 16 : i32
    %mul3A_174 = arith.muli %add3A_172, %mul3A_173 : i32
    %run_scoped3A_175 = arith.constant 2 : i32
    "tpu.region"() ({
      %run_scoped3A_176 = tpu.sem_alloc : memref<!tpu.dma_semaphore, #tpu.memory_space<semaphore_mem>>
      %dma_start3A_177 = arith.constant 0 : i32
      %dma_start3A_178 = tpu.memref_slice %arg6[%run_scoped3A_175, %dma_start3A_177] : memref<3x16xf32, #tpu.memory_space<vmem>> -> memref<1x16xf32, #tpu.memory_space<vmem>>
      %dma_start3A_179 = tpu.memref_squeeze %dma_start3A_178 : memref<1x16xf32, #tpu.memory_space<vmem>> -> memref<16xf32, #tpu.memory_space<vmem>>
      %dma_start3A_180 = tpu.memref_slice %arg3[%mul3A_174] : memref<1536xf32, #tpu.memory_space<hbm>> -> memref<16xf32, #tpu.memory_space<hbm>>
      %dma_start3A_181 = tpu.memref_slice %arg3[%mul3A_174] : memref<1536xf32, #tpu.memory_space<hbm>> -> memref<16xf32, #tpu.memory_space<hbm>>
      %dma_start3A_182 = arith.constant 0 : i32
      %dma_start3A_183 = tpu.memref_slice %arg6[%run_scoped3A_175, %dma_start3A_182] : memref<3x16xf32, #tpu.memory_space<vmem>> -> memref<1x16xf32, #tpu.memory_space<vmem>>
      %dma_start3A_184 = tpu.memref_squeeze %dma_start3A_183 : memref<1x16xf32, #tpu.memory_space<vmem>> -> memref<16xf32, #tpu.memory_space<vmem>>
      tpu.enqueue_dma source(%dma_start3A_184 : memref<16xf32, #tpu.memory_space<vmem>>) target(%dma_start3A_181 : memref<16xf32, #tpu.memory_space<hbm>>) target_semaphore(%run_scoped3A_176 : memref<!tpu.dma_semaphore, #tpu.memory_space<semaphore_mem>>)
      %dma_wait3A_185 = arith.constant 0 : i32
      %dma_wait3A_186 = tpu.memref_slice %arg6[%run_scoped3A_175, %dma_wait3A_185] : memref<3x16xf32, #tpu.memory_space<vmem>> -> memref<1x16xf32, #tpu.memory_space<vmem>>
      %dma_wait3A_187 = tpu.memref_squeeze %dma_wait3A_186 : memref<1x16xf32, #tpu.memory_space<vmem>> -> memref<16xf32, #tpu.memory_space<vmem>>
      %dma_wait3A_188 = tpu.memref_slice %arg3[%mul3A_174] : memref<1536xf32, #tpu.memory_space<hbm>> -> memref<16xf32, #tpu.memory_space<hbm>>
      %dma_wait3A_189 = tpu.memref_slice %arg3[%mul3A_174] : memref<1536xf32, #tpu.memory_space<hbm>> -> memref<16xf32, #tpu.memory_space<hbm>>
      %dma_wait3A_190 = arith.constant 0 : i32
      %dma_wait3A_191 = tpu.memref_slice %arg6[%run_scoped3A_175, %dma_wait3A_190] : memref<3x16xf32, #tpu.memory_space<vmem>> -> memref<1x16xf32, #tpu.memory_space<vmem>>
      %dma_wait3A_192 = tpu.memref_squeeze %dma_wait3A_191 : memref<1x16xf32, #tpu.memory_space<vmem>> -> memref<16xf32, #tpu.memory_space<vmem>>
      tpu.wait_dma2 semaphore(%run_scoped3A_176 : memref<!tpu.dma_semaphore, #tpu.memory_space<semaphore_mem>>) src(%dma_wait3A_192 : memref<16xf32, #tpu.memory_space<vmem>>) dst(%dma_wait3A_189 : memref<16xf32, #tpu.memory_space<hbm>>)
      tpu.yield
    }) : () -> ()
    return
  }
}

module attributes {stable_mosaic.version = 14 : i64} {
  func.func @body(%arg0: memref<1536xf32, #tpu.memory_space<vmem>>, %arg1: memref<1xf32, #tpu.memory_space<smem>>, %arg2: memref<1xf32, #tpu.memory_space<smem>>, %arg3: memref<1xi32, #tpu.memory_space<smem>>, %arg4: memref<1xf32, #tpu.memory_space<smem>>) attributes {dimension_semantics = [], scalar_prefetch = 0 : i64, scratch_operands = 0 : i64, tpu.core_type = #tpu.core_type<tc>} {
    %get3A = arith.constant 0 : index
    %get3A_0 = vector.load %arg0[%get3A] : memref<1536xf32, #tpu.memory_space<vmem>>, vector<512xf32>
    %reduce_sum3A = vector.shape_cast %get3A_0 : vector<512xf32> to vector<1x512xf32>
    %reduce_sum3A_1 = arith.constant dense<0.000000e+00> : vector<1xf32>
    %reduce_sum3A_2 = vector.multi_reduction <add>, %reduce_sum3A, %reduce_sum3A_1 [1] : vector<1x512xf32> to vector<1xf32>
    %reduce_sum3A_3 = vector.shape_cast %reduce_sum3A_2 : vector<1xf32> to vector<1x1xf32>
    %reduce_sum3A_4 = vector.extract %reduce_sum3A_3[0, 0] : f32 from vector<1x1xf32>
    %get3A_5 = arith.constant 512 : index
    %get3A_6 = vector.load %arg0[%get3A_5] : memref<1536xf32, #tpu.memory_space<vmem>>, vector<512xf32>
    %reduce_sum3A_7 = vector.shape_cast %get3A_6 : vector<512xf32> to vector<1x512xf32>
    %reduce_sum3A_8 = arith.constant dense<0.000000e+00> : vector<1xf32>
    %reduce_sum3A_9 = vector.multi_reduction <add>, %reduce_sum3A_7, %reduce_sum3A_8 [1] : vector<1x512xf32> to vector<1xf32>
    %reduce_sum3A_10 = vector.shape_cast %reduce_sum3A_9 : vector<1xf32> to vector<1x1xf32>
    %reduce_sum3A_11 = vector.extract %reduce_sum3A_10[0, 0] : f32 from vector<1x1xf32>
    %get3A_12 = arith.constant 1024 : index
    %get3A_13 = vector.load %arg0[%get3A_12] : memref<1536xf32, #tpu.memory_space<vmem>>, vector<512xf32>
    %reduce_sum3A_14 = vector.shape_cast %get3A_13 : vector<512xf32> to vector<1x512xf32>
    %reduce_sum3A_15 = arith.constant dense<0.000000e+00> : vector<1xf32>
    %reduce_sum3A_16 = vector.multi_reduction <add>, %reduce_sum3A_14, %reduce_sum3A_15 [1] : vector<1x512xf32> to vector<1xf32>
    %reduce_sum3A_17 = vector.shape_cast %reduce_sum3A_16 : vector<1xf32> to vector<1x1xf32>
    %reduce_sum3A_18 = vector.extract %reduce_sum3A_17[0, 0] : f32 from vector<1x1xf32>
    %div3A = arith.constant 0x4A000000 : f32
    %div3A_19 = arith.divf %reduce_sum3A_4, %div3A : f32
    %mul3A = arith.constant 0x4A000000 : f32
    %mul3A_20 = arith.mulf %mul3A, %div3A_19 : f32
    %mul3A_21 = arith.mulf %mul3A_20, %div3A_19 : f32
    %sub3A = arith.subf %reduce_sum3A_11, %mul3A_21 : f32
    %sub3A_22 = arith.constant 0x4A000000 : f32
    %sub3A_23 = arith.constant 1.000000e+00 : f32
    %sub3A_24 = arith.subf %sub3A_22, %sub3A_23 : f32
    %div3A_25 = arith.divf %sub3A, %sub3A_24 : f32
    %max3A = arith.constant 0.000000e+00 : f32
    %max3A_26 = arith.maximumf %div3A_25, %max3A : f32
    %sqrt3A = math.sqrt %max3A_26 : f32
    %add3A = arith.constant 1.000000e+00 : f32
    %add3A_27 = arith.addf %add3A, %sqrt3A : f32
    %div3A_28 = arith.constant 1.000000e+00 : f32
    %div3A_29 = arith.divf %div3A_28, %add3A_27 : f32
    %sub3A_30 = arith.constant 5.000000e-01 : f32
    %sub3A_31 = arith.subf %div3A_19, %sub3A_30 : f32
    %max3A_32 = arith.constant 0.000000e+00 : f32
    %max3A_33 = arith.maximumf %max3A_32, %sub3A_31 : f32
    %mul3A_34 = arith.constant 2.000000e+00 : f32
    %mul3A_35 = arith.mulf %max3A_33, %mul3A_34 : f32
    %swap3A = arith.constant 0 : index
    %swap3A_36 = memref.load %arg1[%swap3A] : memref<1xf32, #tpu.memory_space<smem>>
    memref.store %div3A_19, %arg1[%swap3A] : memref<1xf32, #tpu.memory_space<smem>>
    %mul3A_37 = arith.constant 1.000000e-01 : f32
    %mul3A_38 = arith.mulf %mul3A_35, %mul3A_37 : f32
    %sub3A_39 = arith.subf %div3A_29, %mul3A_38 : f32
    %jit3A = arith.constant 0.000000e+00 : f32
    %jit3A_40 = arith.constant 1.000000e+00 : f32
    %max3A_41 = arith.maximumf %jit3A, %sub3A_39 : f32
    %min3A = arith.minimumf %jit3A_40, %max3A_41 : f32
    %swap3A_42 = arith.constant 0 : index
    %swap3A_43 = memref.load %arg2[%swap3A_42] : memref<1xf32, #tpu.memory_space<smem>>
    memref.store %min3A, %arg2[%swap3A_42] : memref<1xf32, #tpu.memory_space<smem>>
    %min3A_44 = arith.constant 6.400000e+01 : f32
    %min3A_45 = arith.minimumf %reduce_sum3A_18, %min3A_44 : f32
    %convert_element_type3A = arith.fptosi %min3A_45 : f32 to i32
    %swap3A_46 = arith.constant 0 : index
    %swap3A_47 = memref.load %arg3[%swap3A_46] : memref<1xi32, #tpu.memory_space<smem>>
    memref.store %convert_element_type3A, %arg3[%swap3A_46] : memref<1xi32, #tpu.memory_space<smem>>
    %div3A_48 = arith.constant 0x4A000000 : f32
    %div3A_49 = arith.divf %reduce_sum3A_18, %div3A_48 : f32
    %sub3A_50 = arith.constant 1.000000e+00 : f32
    %sub3A_51 = arith.subf %sub3A_50, %div3A_49 : f32
    %swap3A_52 = arith.constant 0 : index
    %swap3A_53 = memref.load %arg4[%swap3A_52] : memref<1xf32, #tpu.memory_space<smem>>
    memref.store %sub3A_51, %arg4[%swap3A_52] : memref<1xf32, #tpu.memory_space<smem>>
    return
  }
}

</mosaic_0001>

<sc_bundles>
// kernel: kernel.4.cloned.1.call-start
scs
__scs_entry_jumppad:
0x0: {  	(pc) =	sbr.rel $0x88, $3  }
0x1: {  	(tag) =	ssettag $0x0;
	lr =	simm.s32 $0x1  }
0x2: {  	[smem:$0x3FA0] =	sst lr;
	_ =	strace $0xD0000000  }
0x3: {  	_ = 	snop  }
0x4: {  	_ = 	snop  }
0x5: {  	_ = 	snop  }
0x6: {  	_ = 	snop  }
0x7: {  	_ = 	snop  }
__scs_overlays_trampoline_lowered:
0x8: {  	[smem:$0x3FAF] =	sst s0  }
0x9: {  	[smem:$0x3FB0] =	sst s1  }
0xa: {  	[smem:$0x3FB1] =	sst s2  }
0xb: {  	[smem:$0x3FB2] =	sst s3  }
0xc: {  	[smem:$0x3FB3] =	sst s4  }
0xd: {  	[smem:$0x3FB4] =	sst s5  }
0xe: {  	[smem:$0x3FB5] =	sst s6  }
0xf: {  	[smem:$0x3FB6] =	sst s7  }
0x10: {  	[smem:$0x3FB7] =	sst s8  }
0x11: {  	[smem:$0x3FB8] =	sst s9;
	s0 =	simm.s32 @!p0 $0x0  }
0x12: {  	s1 =	sld [smem:$0x3F9E];
	s0 =	simm.s32 @p0 $0x1  }
0x13: {  	[smem:$0x3FB9] =	sst s0;
	s0 =	simm.s32 @!p1 $0x0  }
0x14: {  	s2 =	sld [smem:$0x3F9D];
	s0 =	simm.s32 @p1 $0x1  }
0x15: {  	[smem:$0x3FBA] =	sst s0;
	s0 =	simm.s32 @!p2 $0x0  }
0x16: {  	s3 =	sld [smem:$0x3FDB];
	s0 =	simm.s32 @p2 $0x1  }
0x17: {  	s4 =	simm.s32 $0x1BF5;
	[smem:$0x3FBC] =	sst s0  }
0x18: {  	s0 =	sld [smem:$0x3F9F];
	_ =	swait.ge [sflag:s4], $0x0  }
0x19: {  	s7 =	sld [smem:$0x3FA0]  }
0x1a: {  	s8 =	sadd.s32 $0xFFFFE003, lr  }
0x1b: {  	s9 =	sadd.s32 $0xFFFFFEF7, lr;
	s5 =	simm.s32 $0xFFFFFFFF;
	p2 =	slt.u32 s8, $0xFFFFF086  }
0x1c: {  	p1 =	slt.u32 s9, $0xF7A;
	s5 =	simm.s32 @!p2 $0x0  }
0x1d: {  	s5 =	simm.s32 @p1 $0x1;
	p0 =	seq.s32 s7, s2  }
0x1e: {  	s7 =	smul.u32 @!p0 $0xF7A, s2;
	p2 =	seq.s32 @!p0 s5, $0x0  }
0x1f: {  	s9 =	smul.u32 $0xF7A, s1;
	s8 =	simm.s32 @!p0 $0x1BF5;
	p2 =	por !p2, p0  }
0x20: {  	[sflag:s8] =	ssyncset.s32 @!p0 $0xFFFFF086;
	s6 =	sadd.s32 @!p0 s3, s7;
	s7 =	simm.s32 @!p0 $0x108  }
0x21: {  	s3 =	sadd.s32 s3, s9;
	s6 =	sadd.s32 @!p0 $0x88, s6;
	s7 =	simm.s32 @p2 $0x1082  }
0x22: {  	[simem:s7], [sflag:s8] =	dma.local @!p0 [hbm:s6], $0xF7A  }
0x23: {  	s9 =	sor.u32 $0xD0000000, s2;
	s6 =	simm.s32 $0x108;
	_ =	swait.ge @!p0 [sflag:s8], $0x0  }
0x24: {  	s3 =	sadd.s32 $0x88, s3;
	s6 =	simm.s32 @!p1 $0x1082;
	[sflag:s4] =	ssyncset.s32 $0xFFFFF086  }
0x25: {  	[simem:s6], [sflag:s4] =	dma.local [hbm:s3], $0xF7A  }
0x26: {  	[smem:$0x3FA0] =	sst s1;
	(tag) =	ssettag s2;
	_ =	strace s9  }
0x27: {  	s1 =	sld [smem:$0x3FB0]  }
0x28: {  	s2 =	sld [smem:$0x3FB1]  }
0x29: {  	s4 =	sld [smem:$0x3FB3]  }
0x2a: {  	p0 =	seq.s32 s5, $0x0;
	s5 =	sld [smem:$0x3FB4]  }
0x2b: {  	s6 =	sld [smem:$0x3FB5]  }
0x2c: {  	s7 =	sld [smem:$0x3FB6]  }
0x2d: {  	s3 =	simm.s32 $0x108;
	s8 =	sld [smem:$0x3FB7]  }
0x2e: {  	s3 =	simm.s32 @!p0 $0x1082;
	s9 =	sld [smem:$0x3FB8]  }
0x2f: {  	lr =	sadd.s32 s0, s3;
	s0 =	sld [smem:$0x3FAF]  }
0x30: {  	s3 =	sld [smem:$0x3FB2]  }
0x31: {  	[smem:$0x3FBB] =	sst s10  }
0x32: {  	s10 =	sld [smem:$0x3FB9];
	_ =	sdelay $0x3  }
0x33: {  	p0 =	seq.s32 s10, $0x1;
	s10 =	sld [smem:$0x3FBB];
	_ =	sdelay $0x3  }
0x34: {  	[smem:$0x3FBB] =	sst s10  }
0x35: {  	s10 =	sld [smem:$0x3FBA];
	_ =	sdelay $0x3  }
0x36: {  	p1 =	seq.s32 s10, $0x1;
	s10 =	sld [smem:$0x3FBB];
	_ =	sdelay $0x3  }
0x37: {  	[smem:$0x3FBB] =	sst s10  }
0x38: {  	s10 =	sld [smem:$0x3FBC]  }
0x39: {  	_ = 	snop;
	(pc) =	sbr.ind lr, $3  }
0x3a: {  	_ = 	snop  }
0x3b: {  	_ = 	snop  }
0x3c: {  	p2 =	seq.s32 s10, $0x1;
	s10 =	sld [smem:$0x3FBB]  }
0x3d: {  	_ =	shalt  }
0x3e: {  	_ =	shalt  }
0x3f: {  	_ =	shalt  }
0x40: {  	_ =	shalt  }
0x41: {  	_ =	shalt  }
0x42: {  	_ =	shalt  }
0x43: {  	_ =	shalt  }
0x44: {  	_ =	shalt  }
0x45: {  	_ =	shalt  }
0x46: {  	_ =	shalt  }
0x47: {  	_ =	shalt  }
0x48: {  	_ =	shalt  }
0x49: {  	_ =	shalt  }
0x4a: {  	_ =	shalt  }
0x4b: {  	_ =	shalt  }
0x4c: {  	_ =	shalt  }
0x4d: {  	_ =	shalt  }
0x4e: {  	_ =	shalt  }
0x4f: {  	_ =	shalt  }
0x50: {  	_ =	shalt  }
0x51: {  	_ =	shalt  }
0x52: {  	_ =	shalt  }
0x53: {  	_ =	shalt  }
0x54: {  	_ =	shalt  }
0x55: {  	_ =	shalt  }
0x56: {  	_ =	shalt  }
0x57: {  	_ =	shalt  }
0x58: {  	_ =	shalt  }
0x59: {  	_ =	shalt  }
0x5a: {  	_ =	shalt  }
0x5b: {  	_ =	shalt  }
0x5c: {  	_ =	shalt  }
0x5d: {  	_ =	shalt  }
0x5e: {  	_ =	shalt  }
0x5f: {  	_ =	shalt  }
0x60: {  	_ =	shalt  }
0x61: {  	_ =	shalt  }
0x62: {  	_ =	shalt  }
0x63: {  	_ =	shalt  }
0x64: {  	_ =	shalt  }
0x65: {  	_ =	shalt  }
0x66: {  	_ =	shalt  }
0x67: {  	_ =	shalt  }
0x68: {  	_ =	shalt  }
0x69: {  	_ =	shalt  }
0x6a: {  	_ =	shalt  }
0x6b: {  	_ =	shalt  }
0x6c: {  	_ =	shalt  }
0x6d: {  	_ =	shalt  }
0x6e: {  	_ =	shalt  }
0x6f: {  	_ =	shalt  }
0x70: {  	_ =	shalt  }
0x71: {  	_ =	shalt  }
0x72: {  	_ =	shalt  }
0x73: {  	_ =	shalt  }
0x74: {  	_ =	shalt  }
0x75: {  	_ =	shalt  }
0x76: {  	_ =	shalt  }
0x77: {  	_ =	shalt  }
0x78: {  	_ =	shalt  }
0x79: {  	_ =	shalt  }
0x7a: {  	_ =	shalt  }
0x7b: {  	_ =	shalt  }
0x7c: {  	_ =	shalt  }
0x7d: {  	_ =	shalt  }
0x7e: {  	_ =	shalt  }
0x7f: {  	_ =	shalt  }
0x80: {  	_ =	shalt  }
0x81: {  	_ =	shalt  }
0x82: {  	_ =	shalt  }
0x83: {  	_ =	shalt  }
0x84: {  	_ =	shalt  }
0x85: {  	_ =	shalt  }
0x86: {  	_ =	shalt  }
0x87: {  	_ =	shalt  }
.Lfunc_end0:
.L_simem_size_0:
called_computation_lowered:
.L_overlay_start_0:
0x88: {  	s2 =	sld [smem:$0x3FD9]  }
0x89: {  	s3 =	sld [smem:$0x3FFE];
	_ =	sdelay $0x1  }
0x8a: {  	s1 =	srdreg.scid  }
0x8b: {  	s0 =	sand.u32 $0x1, s1  }
0x8c: {  	s14 =	sshll.u32 s0, $0xA;
	s2 =	sadd.s32 s3, s2  }
0x8d: {  	s2 =	sadd.s32 s2, s14  }
0x8e: {  	[smem:$0x3FC7] =	sst s2  }
0x8f: {  	_ = 	snop  }
0x90: {  	s2 =	sld [smem:$0x3FD0];
	_ =	sdelay $0x2  }
0x91: {  	s4 =	simm.s32 $0xA;
	s5 =	simm.s32 $0x10;
	s15 =	sld [smem:$0x3FC9]  }
0x92: {  	[smem:s5], [sflag:s4] =	dma.local [hbm:s2], $0x1  }
0x93: {  	_ =	swait.eq [sflag:s4], $0x1  }
0x94: {  	[sflag:s4] =	ssyncset.done $0x0  }
0x95: {  	[sflag:s4] =	ssyncadd.s32 $0xFFFFFFFF  }
0x96: {  	s16 =	sld [smem:$0x10];
	(tm) =	ssettm $0x1  }
0x97: {  	s17 =	sld [smem:$0x3FFB];
	_ =	sdelay $0x3  }
0x98: {  	_ =	strace s17  }
0x99: {  	s4 =	sld [smem:$0x3FFC];
	_ =	sdelay $0x3  }
0x9a: {  	_ =	strace s4  }
0x9b: {  	s4 =	sld [smem:$0x3FFD];
	_ =	sdelay $0x3  }
0x9c: {  	_ =	strace s4  }
0x9d: {  	_ =	strace $0x8FFFFFFF  }
0x9e: {  	s18 =	sld [smem:$0x3FDB];
	_ =	sdelay $0x1  }
0x9f: {  	s19 =	simm.s32 $_scs_section_size  }
0xa0: {  	s6 =	simm.s32 $_size__tile_overlayer_lowered;
	s7 =	simm.s32 $_tile_overlayer_lowered  }
0xa1: {  	s22 =	simm.s32 $0x1BFF;
	s21 =	sshll.u32 s7, $0x1;
	s4 =	sadd.s32 s19, s18  }
0xa2: {  	s8 =	simm.s32 $0x0;
	s20 =	sshll.u32 s6, $0x1;
	s6 =	sadd.s32 s21, s4  }
0xa3: {  	[timem:s8], [sflag:s22] =	dma.local [hbm:s6], s20  }
0xa4: {  	_ =	swait.ge [sflag:s22], s20  }
0xa5: {  	s5 =	ssub.s32 $0x0, s20;
	[sflag:s22] =	ssyncset.done $0x0  }
0xa6: {  	[sflag:s22] =	ssyncadd.s32 s5;
	_ =	sdelay $0x1  }
0xa7: {  	s23 =	simm.s32 $0x1B8B  }
0xa8: {  	_ =	swait.ge [sflag:s23], $0x1  }
0xa9: {  	[sflag:s23] =	ssyncset.done $0x0  }
0xaa: {  	s25 =	simm.s32 $0x1B8E;
	s24 =	sld [smem:$0x3FFE];
	[sflag:s23] =	ssyncadd.s32 $0xFFFFFFFF  }
0xab: {  	s26 =	simm.s32 $execute0_lowered;
	[smem:$0x3FD2] =	sst s25  }
0xac: {  	s6 =	sshll.u32 s26, $0x1;
	_ =	strace $0x80000046;
	[dreg:$0x1] =	wrdreg $0xFFFFFFFF  }
0xad: {  	s28 =	simm.s32 $_size_execute0_lowered;
	s4 =	sadd.s32 s4, s6;
	[dreg:$0x0] =	wrdreg $0x0  }
0xae: {  	s6 =	sshll.u32 s28, $0x1;
	[dreg:$0x2] =	wrdreg s4  }
0xaf: {  	[dreg:$0x3] =	wrdreg s6  }
0xb0: {  	[dreg:$0x4] =	wrdreg $0xC0  }
0xb1: {  	_ =	task [dreg:s8], $0x5FFFF  }
0xb2: {  	[dreg:$0x1] =	wrdreg $0xFFFFFFFF  }
0xb3: {  	[dreg:$0x0] =	wrdreg $0x60  }
0xb4: {  	[dreg:$0x2] =	wrdreg s15  }
0xb5: {  	[dreg:$0x3] =	wrdreg s24  }
0xb6: {  	[dreg:$0x4] =	wrdreg s16  }
0xb7: {  	[dreg:$0x5] =	wrdreg $0x9  }
0xb8: {  	_ =	task.clear_ibuf [dreg:s8], $0x6FFFF;
	_ =	strace $0x90000046  }
0xb9: {  	s29 =	simm.s32 $0x9;
	_ =	strace $0x80000048  }
0xba: {  	_ =	swait.ge [sflag:s29], $0x1  }
0xbb: {  	[sflag:s29] =	ssyncadd.s32 $0xFFFFFFFF  }
0xbc: {  	_ =	strace $0x90000048  }
0xbd: {  	_ =	sfence  }
0xbe: {  	s30 =	sld [smem:$0x0];
	_ =	sdelay $0x2  }
0xbf: {  	s31 =	sshll.u32 s1, $0xD;
	s1 =	sshrl.u32 s1, $0x2  }
0xc0: {  	s3 =	sand.u32 $0x4000, s31;
	s1 =	sadd.s32 s1, s30  }
0xc1: {  	s0 =	sor.u32 s3, s0;
	s1 =	sshll.u32 s1, $0x11  }
0xc2: {  	s0 =	sor.u32 s1, s0  }
0xc3: {  	s0 =	sadd.s32 $0x8F2B, s0  }
0xc4: {  	[sflag:s0] =	ssyncadd.remote.s32 $0x1  }
0xc5: {  	_ =	sfence.sel $0xFFFF  }
0xc6: {  	[dreg:$0x0] =	wrdreg $0xFFFFFFFF;
	(pc) =	sbr.abs _section_cstart, $3  }
0xc7: {  	[dreg:$0x1] =	wrdreg $0xFFFFFFFF  }
0xc8: {  	_ =	task.clear_ibuf [dreg:s8], $0x2FFFF;
	_ =	strace $0x9FFFFFFF  }
0xc9: {  	(tm) =	ssettm $0x7FFFFFFF  }
tec
execute0_lowered:
.L_overlay_start_1:
0x0: {  	(tag) =	ssettag $0x1  }
0x1: {  	s4 =	rddreg [dreg:$0x0]  }
0x2: {  	s3 =	rddreg [dreg:$0x1]  }
0x3: {  	s6 =	rddreg [dreg:$0x2]  }
0x4: {  	s0 =	rddreg [dreg:$0x3];
	s2 =	simm.s32 $0x0;
	s5 =	srdreg.scid  }
0x5: {  	s1 =	stileid.u32;
	s12 =	simm.s32 $0x1;
	s13 =	simm.s32 $0x2  }
0x6: {  	s14 =	simm.s32 $0x3;
	s15 =	simm.s32 $0x4;
	s16 =	simm.s32 $0x10000  }
0x7: {  	s17 =	simm.s32 $0x5;
	s18 =	simm.s32 $0x10080;
	s19 =	simm.s32 $0x10100  }
0x8: {  	s20 =	simm.s32 $0x0;
	[smem:$0x7FF] =	sst s2;
	s5 =	sand.u32 $0x1, s5  }
0x9: {  	s7 =	sshll.u32 s1, $0x1;
	s9 =	sshll.u32 s1, $0x11;
	_ =	strace $0x80000047  }
0xa: {  	s7 =	sor.u32 s5, s7;
	s5 =	ssub.s32 $0x2, s5;
	s9 =	sand.u32 $0x1C0000, s9  }
0xb: {  	s8 =	sshll.u32 s7, $0x1;
	s7 =	sand.u32 $0x3, s7;
	s26 =	sshrl.u32 s5, $0x1  }
0xc: {  	s10 =	sshll.u32 s7, $0x10;
	s11 =	sadd.s32 s8, s3;
	s7 =	sshll.u32 s7, $0xD  }
0xd: {  	s29 =	ssub.s32 s5, s26;
	s28 =	sor.u32 s9, s10;
	s9 =	sshrl.u32 s9, $0x3  }
0xe: {  	s10 =	smax.u32 s29, $0x1;
	s8 =	sshrl.u32 s28, $0x3;
	s30 =	sor.u32 s9, s7  }
0xf: {  	s7 =	sadd.s32 $0xC00, s11;
	s9 =	sadd.s32 $0xC80, s11;
	s31 =	sor.u32 $0x1000, s8  }
0x10: {  	s3 =	sadd.s32 s4, s30;
	s5 =	sadd.s32 s6, s30;
	s8 =	sadd.s32 $0xC40, s11  }
0x11: {  	s11 =	simm.s32 $0x8000;
	s4 =	sadd.s32 s4, s31;
	s6 =	sadd.s32 s6, s31  }
.LBB2_1:
0x12: {  	[tilespmem:s2], [sflag:$0x1] =	stream.linear.gather [hbm4b:s3+s2], $0x8000, $0x38;
	[tilespmem:$0x10200] =	vst v63  }
0x13: {  	_ = 	snop  }
0x14: {  	[tilespmem:s11], [sflag:$0x2] =	stream.linear.gather [hbm4b:s4+s2], $0x8000, $0x38;
	[tilespmem:$0x10200] =	vst v63  }
0x15: {  	v1 =	vimm.f32 $0.0e+00;
	v0 =	vimm.s32 $0x0;
	v20 =	vimm.f32 $0.0e+00;
	_ =	swait.ge [sflag:s12], $0x8000  }
0x16: {  	v6 =	vimm.s32 $0x0;
	v9 =	vimm.f32 $0.0e+00;
	v7 =	vimm.f32 $0.0e+00;
	[sflag:s12] =	ssyncset.done $0x0  }
0x17: {  	v5 =	vimm.s32 $0x0;
	v2 =	vimm.f32 $0.0e+00;
	v8 =	vimm.f32 $0.0e+00;
	s21 =	simm.s32 $0x40;
	s22 =	simm.s32 $0x0;
	[sflag:s12] =	ssyncadd.s32 $0xFFFF8000  }
0x18: {  	v4 =	vimm.s32 $0x0;
	v3 =	vimm.f32 $0.0e+00;
	v19 =	vimm.f32 $0.0e+00;
	[hbm4b:s5+s2] =	stream.linear.scatter [tilespmem:s2], [sflag:$0x3], $0x8000, $0x38;
	[tilespmem:$0x10200] =	vst v63  }
.LBB2_2:
0x19: {  	v10 =	vld [tilespmem:s21+$0x10]  }
0x1a: {  	v15 =	vld [tilespmem:s21+$0x0]  }
0x1b: {  	v14 =	vld [tilespmem:s21+$0x20]  }
0x1c: {  	v11 =	vld [tilespmem:s21+$0x30]  }
0x1d: {  	v16 =	vld [tilespmem:s21+$0xFFFFFFF0]  }
0x1e: {  	v24 =	vld [tilespmem:s21+$0xFFFFFFC0]  }
0x1f: {  	v21 =	vld [tilespmem:s21+$0xFFFFFFE0];
	_ =	sdelay $0x1  }
0x20: {  	vm0 =	vgt.f32 v10, $1.000000010e-01;
	v17 =	vmul.f32 v10, v10  }
0x21: {  	v18 =	vld [tilespmem:s21+$0xFFFFFFD0];
	vm1 =	vgt.f32 v15, $1.000000010e-01;
	v27 =	vmul.f32 v11, v11;
	v26 =	vmul.f32 v16, v16  }
0x22: {  	v20 =	vadd.f32 v16, v20;
	v23 =	vmul.f32 v14, v14;
	v22 =	vmul.f32 v15, v15  }
0x23: {  	vm2 =	vgt.f32 v16, $1.000000010e-01;
	v25 =	vmul.f32 v24, v24;
	v30 =	vmul.f32 v21, v21  }
0x24: {  	v19 =	vadd.f32 v24, v19;
	v12 =	vmpcnt.ones.xlane vm1;
	v13 =	vmpcnt.ones.xlane vm0  }
0x25: {  	vm0 =	vgt.f32 v14, $1.000000010e-01;
	vm1 =	vgt.f32 v11, $1.000000010e-01;
	v28 =	vmpcnt.ones.xlane vm2  }
0x26: {  	vm2 =	vgt.f32 v21, $1.000000010e-01;
	v16 =	vmpcnt.ones.xlane vm0;
	vm0 =	vgt.f32 v18, $1.000000010e-01  }
0x27: {  	v29 =	vmpcnt.ones.xlane vm1;
	vm1 =	vgt.f32 v24, $1.000000010e-01;
	v1 =	vadd.f32 v26, v1  }
0x28: {  	v26 =	vmpcnt.ones.xlane vm2;
	v9 =	vadd.f32 v30, v9;
	v0 =	vadd.s32 v0, v28  }
0x29: {  	s23 =	simm.s32 $0x0;
	s24 =	sadd.s32 $0x400, s21;
	v24 =	vmpcnt.ones.xlane vm1;
	v1 =	vadd.f32 v27, v1;
	v0 =	vadd.s32 v29, v0  }
.LBB2_3:
0x2a: {  	v27 =	vld [tilespmem:s24+$0x10];
	s23 =	sadd.s32 $0x80, s23;
	v8 =	vadd.f32 v18, v8;
	v18 =	vmul.f32 v18, v18;
	v7 =	vadd.f32 v21, v7  }
0x2b: {  	v3 =	vadd.f32 v25, v3;
	v21 =	vmpcnt.ones.xlane vm0;
	v28 =	vld [tilespmem:s24+$0x0];
	p0 =	slt.u32 s23, $0xF80;
	v9 =	vadd.f32 v23, v9  }
0x2c: {  	v6 =	vadd.s32 v6, v26;
	v19 =	vadd.f32 v15, v19;
	v23 =	vld [tilespmem:s24+$0x20];
	v2 =	vadd.f32 v18, v2  }
0x2d: {  	v20 =	vadd.f32 v11, v20;
	v5 =	vadd.s32 v5, v21;
	v3 =	vadd.f32 v22, v3;
	v11 =	vld [tilespmem:s24+$0x30]  }
0x2e: {  	v4 =	vadd.s32 v4, v24;
	v7 =	vadd.f32 v14, v7;
	v22 =	vld [tilespmem:s24+$0xFFFFFFF0];
	v2 =	vadd.f32 v17, v2  }
0x2f: {  	v8 =	vadd.f32 v10, v8;
	v5 =	vadd.s32 v13, v5;
	v18 =	vld [tilespmem:s24+$0xFFFFFFD0];
	vm0 =	vgt.f32 v27, $1.000000010e-01;
	v10 =	vmovc v27  }
0x30: {  	v4 =	vadd.s32 v12, v4;
	v6 =	vadd.s32 v16, v6;
	v24 =	vld [tilespmem:s24+$0xFFFFFFC0];
	vm1 =	vgt.f32 v28, $1.000000010e-01;
	v15 =	vmovc v28  }
0x31: {  	v13 =	vmpcnt.ones.xlane vm0;
	v21 =	vld [tilespmem:s24+$0xFFFFFFE0];
	v12 =	vmpcnt.ones.xlane vm1;
	vm0 =	vgt.f32 v23, $1.000000010e-01;
	v14 =	vmovc v23  }
0x32: {  	v17 =	vmul.f32 v27, v10;
	v27 =	vmul.f32 v11, v11;
	vm1 =	vgt.f32 v11, $1.000000010e-01  }
0x33: {  	v23 =	vmul.f32 v23, v14;
	v20 =	vadd.f32 v22, v20;
	v26 =	vmul.f32 v22, v22  }
0x34: {  	v16 =	vmpcnt.ones.xlane vm0;
	vm2 =	vgt.f32 v22, $1.000000010e-01;
	v22 =	vmul.f32 v28, v15  }
.Ltmp0:
0x35: {  	vm0 =	vgt.f32 v18, $1.000000010e-01;
	v28 =	vmpcnt.ones.xlane vm2;
	v19 =	vadd.f32 v24, v19;
	(pc) =	sbr.rel @p0 .LBB2_3-.Ltmp0, $4  }
0x36: {  	v29 =	vmpcnt.ones.xlane vm1;
	v25 =	vmul.f32 v24, v24;
	vm2 =	vgt.f32 v21, $1.000000010e-01  }
0x37: {  	vm1 =	vgt.f32 v24, $1.000000010e-01;
	v1 =	vadd.f32 v26, v1;
	v30 =	vmul.f32 v21, v21  }
0x38: {  	v24 =	vmpcnt.ones.xlane vm1;
	v0 =	vadd.s32 v0, v28;
	v26 =	vmpcnt.ones.xlane vm2  }
0x39: {  	s24 =	sadd.s32 $0x400, s24;
	v1 =	vadd.f32 v27, v1;
	v0 =	vadd.s32 v29, v0;
	v9 =	vadd.f32 v30, v9  }
0x3a: {  	v8 =	vadd.f32 v18, v8;
	s22 =	sadd.s32 $0x1, s22  }
0x3b: {  	v18 =	vmul.f32 v18, v18;
	v7 =	vadd.f32 v21, v7;
	v3 =	vadd.f32 v25, v3;
	p0 =	sne.s32 s22, $0x8  }
.Ltmp1:
0x3c: {  	v21 =	vmpcnt.ones.xlane vm0;
	v6 =	vadd.s32 v6, v26;
	v19 =	vadd.f32 v15, v19;
	(pc) =	sbr.rel @p0 .LBB2_2-.Ltmp1, $4  }
0x3d: {  	v20 =	vadd.f32 v11, v20;
	v4 =	vadd.s32 v4, v24;
	v9 =	vadd.f32 v23, v9  }
0x3e: {  	v4 =	vadd.s32 v12, v4;
	v6 =	vadd.s32 v16, v6;
	v2 =	vadd.f32 v18, v2  }
0x3f: {  	v5 =	vadd.s32 v5, v21;
	v7 =	vadd.f32 v14, v7;
	v8 =	vadd.f32 v10, v8  }
0x40: {  	s21 =	sadd.s32 $0x80, s21;
	v3 =	vadd.f32 v22, v3;
	v5 =	vadd.s32 v13, v5;
	v2 =	vadd.f32 v17, v2  }
0x41: {  	_ =	swait.ge [sflag:s13], $0x8000  }
0x42: {  	[sflag:s13] =	ssyncset.done $0x0  }
0x43: {  	s21 =	simm.s32 $0x0;
	s22 =	simm.s32 $0x8070;
	[sflag:s13] =	ssyncadd.s32 $0xFFFF8000  }
0x44: {  	[hbm4b:s6+s21] =	stream.linear.scatter [tilespmem:s11], [sflag:$0x4], $0x8000, $0x38;
	[tilespmem:$0x10200] =	vst v63  }
.LBB2_6:
0x45: {  	v10 =	vld [tilespmem:s22+$0xFFFFFFE0]  }
0x46: {  	v15 =	vld [tilespmem:s22+$0xFFFFFFD0]  }
0x47: {  	v14 =	vld [tilespmem:s22+$0xFFFFFFF0]  }
0x48: {  	v11 =	vld [tilespmem:s22+$0x0]  }
0x49: {  	v16 =	vld [tilespmem:s22+$0xFFFFFFC0]  }
0x4a: {  	v24 =	vld [tilespmem:s22+$0xFFFFFF90]  }
0x4b: {  	v21 =	vld [tilespmem:s22+$0xFFFFFFB0];
	_ =	sdelay $0x1  }
0x4c: {  	vm0 =	vgt.f32 v10, $1.000000010e-01;
	v17 =	vmul.f32 v10, v10  }
0x4d: {  	v18 =	vld [tilespmem:s22+$0xFFFFFFA0];
	vm1 =	vgt.f32 v15, $1.000000010e-01;
	v27 =	vmul.f32 v11, v11;
	v26 =	vmul.f32 v16, v16  }
0x4e: {  	v20 =	vadd.f32 v16, v20;
	v23 =	vmul.f32 v14, v14;
	v22 =	vmul.f32 v15, v15  }
0x4f: {  	vm2 =	vgt.f32 v16, $1.000000010e-01;
	v25 =	vmul.f32 v24, v24;
	v30 =	vmul.f32 v21, v21  }
0x50: {  	v19 =	vadd.f32 v24, v19;
	v12 =	vmpcnt.ones.xlane vm1;
	v13 =	vmpcnt.ones.xlane vm0  }
0x51: {  	vm0 =	vgt.f32 v14, $1.000000010e-01;
	vm1 =	vgt.f32 v11, $1.000000010e-01;
	v28 =	vmpcnt.ones.xlane vm2  }
0x52: {  	vm2 =	vgt.f32 v21, $1.000000010e-01;
	v16 =	vmpcnt.ones.xlane vm0;
	vm0 =	vgt.f32 v18, $1.000000010e-01  }
0x53: {  	v29 =	vmpcnt.ones.xlane vm1;
	vm1 =	vgt.f32 v24, $1.000000010e-01;
	v1 =	vadd.f32 v26, v1  }
0x54: {  	v26 =	vmpcnt.ones.xlane vm2;
	v9 =	vadd.f32 v30, v9;
	v0 =	vadd.s32 v0, v28  }
0x55: {  	s23 =	simm.s32 $0x0;
	s24 =	sadd.s32 $0x400, s22;
	v24 =	vmpcnt.ones.xlane vm1;
	v1 =	vadd.f32 v27, v1;
	v0 =	vadd.s32 v29, v0  }
.LBB2_7:
0x56: {  	v27 =	vld [tilespmem:s24+$0xFFFFFFE0];
	s23 =	sadd.s32 $0x80, s23;
	v8 =	vadd.f32 v18, v8;
	v18 =	vmul.f32 v18, v18;
	v7 =	vadd.f32 v21, v7  }
0x57: {  	v3 =	vadd.f32 v25, v3;
	v21 =	vmpcnt.ones.xlane vm0;
	v28 =	vld [tilespmem:s24+$0xFFFFFFD0];
	p0 =	slt.u32 s23, $0xF80;
	v9 =	vadd.f32 v23, v9  }
0x58: {  	v6 =	vadd.s32 v6, v26;
	v19 =	vadd.f32 v15, v19;
	v23 =	vld [tilespmem:s24+$0xFFFFFFF0];
	v2 =	vadd.f32 v18, v2  }
0x59: {  	v20 =	vadd.f32 v11, v20;
	v5 =	vadd.s32 v5, v21;
	v3 =	vadd.f32 v22, v3;
	v11 =	vld [tilespmem:s24+$0x0]  }
0x5a: {  	v4 =	vadd.s32 v4, v24;
	v7 =	vadd.f32 v14, v7;
	v22 =	vld [tilespmem:s24+$0xFFFFFFC0];
	v2 =	vadd.f32 v17, v2  }
0x5b: {  	v8 =	vadd.f32 v10, v8;
	v5 =	vadd.s32 v13, v5;
	v18 =	vld [tilespmem:s24+$0xFFFFFFA0];
	vm0 =	vgt.f32 v27, $1.000000010e-01;
	v10 =	vmovc v27  }
0x5c: {  	v4 =	vadd.s32 v12, v4;
	v6 =	vadd.s32 v16, v6;
	v24 =	vld [tilespmem:s24+$0xFFFFFF90];
	vm1 =	vgt.f32 v28, $1.000000010e-01;
	v15 =	vmovc v28  }
0x5d: {  	v13 =	vmpcnt.ones.xlane vm0;
	v21 =	vld [tilespmem:s24+$0xFFFFFFB0];
	v12 =	vmpcnt.ones.xlane vm1;
	vm0 =	vgt.f32 v23, $1.000000010e-01;
	v14 =	vmovc v23  }
0x5e: {  	v17 =	vmul.f32 v27, v10;
	v27 =	vmul.f32 v11, v11;
	vm1 =	vgt.f32 v11, $1.000000010e-01  }
0x5f: {  	v23 =	vmul.f32 v23, v14;
	v20 =	vadd.f32 v22, v20;
	v26 =	vmul.f32 v22, v22  }
0x60: {  	v16 =	vmpcnt.ones.xlane vm0;
	vm2 =	vgt.f32 v22, $1.000000010e-01;
	v22 =	vmul.f32 v28, v15  }
.Ltmp2:
0x61: {  	vm0 =	vgt.f32 v18, $1.000000010e-01;
	v28 =	vmpcnt.ones.xlane vm2;
	v19 =	vadd.f32 v24, v19;
	(pc) =	sbr.rel @p0 .LBB2_7-.Ltmp2, $4  }
0x62: {  	v29 =	vmpcnt.ones.xlane vm1;
	v25 =	vmul.f32 v24, v24;
	vm2 =	vgt.f32 v21, $1.000000010e-01  }
0x63: {  	vm1 =	vgt.f32 v24, $1.000000010e-01;
	v1 =	vadd.f32 v26, v1;
	v30 =	vmul.f32 v21, v21  }
0x64: {  	v24 =	vmpcnt.ones.xlane vm1;
	v0 =	vadd.s32 v0, v28;
	v26 =	vmpcnt.ones.xlane vm2  }
0x65: {  	s24 =	sadd.s32 $0x400, s24;
	v1 =	vadd.f32 v27, v1;
	v0 =	vadd.s32 v29, v0;
	v9 =	vadd.f32 v30, v9  }
0x66: {  	v8 =	vadd.f32 v18, v8;
	s21 =	sadd.s32 $0x1, s21  }
0x67: {  	v18 =	vmul.f32 v18, v18;
	v7 =	vadd.f32 v21, v7;
	v3 =	vadd.f32 v25, v3;
	p0 =	sne.s32 s21, $0x8  }
.Ltmp3:
0x68: {  	v21 =	vmpcnt.ones.xlane vm0;
	v6 =	vadd.s32 v6, v26;
	v19 =	vadd.f32 v15, v19;
	(pc) =	sbr.rel @p0 .LBB2_6-.Ltmp3, $4  }
0x69: {  	v20 =	vadd.f32 v11, v20;
	v4 =	vadd.s32 v4, v24;
	v9 =	vadd.f32 v23, v9  }
0x6a: {  	v4 =	vadd.s32 v12, v4;
	v6 =	vadd.s32 v16, v6;
	v2 =	vadd.f32 v18, v2  }
0x6b: {  	v5 =	vadd.s32 v5, v21;
	v7 =	vadd.f32 v14, v7;
	v8 =	vadd.f32 v10, v8  }
0x6c: {  	s22 =	sadd.s32 $0x80, s22;
	v3 =	vadd.f32 v22, v3;
	v5 =	vadd.s32 v13, v5;
	v2 =	vadd.f32 v17, v2  }
0x6d: {  	_ =	swait.ge [sflag:s14], $0x8000  }
0x6e: {  	v4 =	vadd.s32 v4, v5;
	[sflag:s14] =	ssyncset.done $0x0  }
0x6f: {  	v62 =	vadd.f32 v8, v19;
	v7 =	vadd.f32 v20, v7;
	v4 =	vadd.s32 v6, v4;
	[sflag:s14] =	ssyncadd.s32 $0xFFFF8000  }
0x70: {  	v1 =	vadd.f32 v1, v9;
	v2 =	vadd.f32 v2, v3;
	v0 =	vadd.s32 v0, v4;
	_ =	swait.ge [sflag:s15], $0x8000  }
0x71: {  	v63 =	vadd.f32 v7, v62;
	v0 =	vcvt.s32.f32 v0;
	[sflag:s15] =	ssyncset.done $0x0  }
0x72: {  	v1 =	vadd.f32 v1, v2;
	[sflag:s15] =	ssyncadd.s32 $0xFFFF8000  }
0x73: {  	v0 =	vmul.f32 $6.250000000e-02, v0;
	[tilespmem:$0x10000] =	vst v63  }
0x74: {  	[tilespmem:$0x10080] =	vst v1  }
0x75: {  	[tilespmem:$0x10100] =	vst v0  }
0x76: {  	[hbm4b:s7+s2] =	stream.linear.scatter [tilespmem:s16], [sflag:$0x5], $0x10, $0x38;
	[tilespmem:$0x10200] =	vst v63  }
0x77: {  	_ =	swait.ge [sflag:s17], $0x10  }
0x78: {  	[sflag:s17] =	ssyncset.done $0x0  }
0x79: {  	[sflag:s17] =	ssyncadd.s32 $0xFFFFFFF0  }
0x7a: {  	[hbm4b:s8+s2] =	stream.linear.scatter [tilespmem:s18], [sflag:$0x5], $0x10, $0x38;
	[tilespmem:$0x10200] =	vst v63  }
0x7b: {  	s20 =	sadd.s32 $0x1, s20;
	_ =	swait.ge [sflag:s17], $0x10  }
0x7c: {  	p0 =	sne.s32 s20, s10;
	[sflag:s17] =	ssyncset.done $0x0  }
.Ltmp4:
0x7d: {  	[sflag:s17] =	ssyncadd.s32 $0xFFFFFFF0;
	(pc) =	sbr.rel @p0 .LBB2_1-.Ltmp4, $4  }
0x7e: {  	[hbm4b:s9+s2] =	stream.linear.scatter [tilespmem:s19], [sflag:$0x5], $0x10, $0x38;
	[tilespmem:$0x10200] =	vst v63  }
0x7f: {  	_ =	swait.ge [sflag:s17], $0x10  }
0x80: {  	[sflag:s17] =	ssyncset.done $0x0  }
0x81: {  	[sflag:s17] =	ssyncadd.s32 $0xFFFFFFF0  }
0x82: {  	_ =	sfence.sel $0x180000  }
0x83: {  	[bflag:$0x0] =	sbarrier.arrive $0xFFFF  }
0x84: {  	p0 =	sne.s32 s1, $0x0;
	_ =	strace $0x90000047  }
0x85: {  	s0 =	sadd.s32 @!p0 $0x100000, s0;
	[bflag:$0x2] =	sbarrier.arrive $0xFFFF  }
0x86: {  	[sflag:s0] =	ssyncadd.tile.s32 @!p0 $0x1;
	_ =	shalt  }
.Lfunc_end2:
_tile_overlayer_lowered:
.L_overlay_start_2:
0x87: {  	(tag) =	ssettag $0x2  }
0x88: {  	s0 =	rddreg [dreg:$0x0];
	s2 =	stileid.u32  }
0x89: {  	s1 =	rddreg [dreg:$0x1];
	p0 =	sne.s32 s2, $0x0  }
0x8a: {  	s3 =	rddreg [dreg:$0x2];
	[bflag:$0x3] =	sbarrier.arrive $0xFFFF;
	s2 =	simm.s32 @!p0 $0x1C05  }
0x8b: {  	[timem:s3], [sflag:s2] =	dma.local @!p0 [hbm:s0], s1  }
0x8c: {  	s0 =	simm.s32 @!p0 $0x5  }
0x8d: {  	_ =	swait.ge @!p0 [sflag:s0], s1  }
0x8e: {  	s1 =	ssub.s32 @!p0 $0x0, s1;
	[sflag:s0] =	ssyncset.done @!p0 $0x0  }
0x8f: {  	[sflag:s0] =	ssyncadd.s32 @!p0 s1  }
0x90: {  	[bflag:$0x3] =	sbarrier.arrive $0xFFFF  }
0x91: {  	_ =	shalt  }

</sc_bundles>
